<compile_context>
chip_gen: v7x
topology: tpu7x:2x2x1
jax: 0.10.2.dev20260603
libtpu: 0.0.44.dev20260713+nightly
codegen_flags: <defaults>
</compile_context>

<pallas_src>
import functools

import jax
import jax.numpy as jnp
from jax import lax
from jax.experimental import pallas as pl
from jax.experimental.pallas import tpu as pltpu
from jax.experimental.pallas import tpu_sc as plsc

B, NS, NT, HID = 16, 4, 512, 128
ROWS = B * NS * NT
NC, NSUB = 2, 16
NW = NC * NSUB
CHUNK = 128
NCHUNK = 8
NBUF = 7
L = 16
EPS = 1e-12


def _sc_gather(ids_hbm, word_hbm, sent_hbm, out_hbm,
               idx_v, sidx_v, b0, b1, b2, b3, b4, b5, b6, sbuf,
               g0, g1, g2, g3, g4, g5, g6,
               w0, w1, w2, w3, w4, w5, w6, ssem):
    bufs = [b0, b1, b2, b3, b4, b5, b6]
    gsem = [g0, g1, g2, g3, g4, g5, g6]
    wsem = [w0, w1, w2, w3, w4, w5, w6]
    wid = lax.axis_index("s") * NC + lax.axis_index("c")
    c = lax.bitwise_and(wid, 3)
    g = lax.shift_right_logical(wid, 2)
    czero = c == 0
    lanes = lax.iota(jnp.int32, L)
    zer = jnp.zeros((L,), jnp.int32)

    pltpu.sync_copy(ids_hbm.at[pl.ds(2 * g, 2), :, pl.ds(c * CHUNK, CHUNK)],
                    idx_v)
    k_lane = lax.bitwise_and(lanes, 7)
    sidx_v[...] = plsc.load_gather(
        idx_v, [lax.shift_right_logical(k_lane, 2),
                lax.bitwise_and(k_lane, 3), zer])
    scp = pltpu.async_copy(sent_hbm.at[sidx_v], sbuf, ssem)

    gh = [pltpu.async_copy(word_hbm.at[idx_v.at[k // 4, k % 4]],
                           bufs[k], gsem[k]) for k in range(NBUF)]
    scp.wait()

    wh = [None] * NBUF
    for k in range(NCHUNK):
        b = k % NBUF
        buf = bufs[b]
        gh[b].wait()
        kvec = zer + k
        for m in range(HID // L):
            cols = lanes + m * L
            wrow = plsc.load_gather(buf, [zer, cols])
            srow = plsc.load_gather(sbuf, [kvec, cols])
            plsc.store_scatter(buf, [zer, cols],
                               jnp.where(czero, srow, wrow))
        row_base = (8 * g + k) * NT + c * CHUNK
        wh[b] = pltpu.async_copy(buf, out_hbm.at[pl.ds(row_base, CHUNK)],
                                 wsem[b])
        if k + NBUF < NCHUNK:
            wh[b].wait()
            kk = k + NBUF
            gh[b] = pltpu.async_copy(word_hbm.at[idx_v.at[kk // 4, kk % 4]],
                                     bufs[b], gsem[b])
    for b in range(NBUF):
        if wh[b] is not None:
            wh[b].wait()


@functools.lru_cache(maxsize=None)
def _sc_gather_call():
    return pl.kernel(
        _sc_gather,
        out_type=jax.ShapeDtypeStruct((ROWS, HID), jnp.float32),
        mesh=plsc.VectorSubcoreMesh(
            core_axis_name="c", subcore_axis_name="s",
            num_cores=NC, num_subcores=NSUB),
        compiler_params=pltpu.CompilerParams(needs_layout_passes=False),
        scratch_types=(
            [pltpu.VMEM((2, NS, CHUNK), jnp.int32),
             pltpu.VMEM((L,), jnp.int32)]
            + [pltpu.VMEM((CHUNK, HID), jnp.float32)] * NBUF
            + [pltpu.VMEM((L, HID), jnp.float32)]
            + [pltpu.SemaphoreType.DMA] * (2 * NBUF + 1)
        ),
    )


def _tc_ln(x_ref, pos_ref, g_ref, b_ref, o_ref):
    x = x_ref[...]
    pos = pos_ref[...]
    t = lax.broadcasted_iota(jnp.int32, (NT, 1), 0)
    pos = jnp.where(t > 0, pos, 0.0)
    x = x + pos[None]
    u = jnp.mean(x, axis=-1, keepdims=True)
    d = x - u
    s = jnp.mean(d * d, axis=-1, keepdims=True)
    xn = d * lax.rsqrt(s + EPS)
    o_ref[...] = xn * g_ref[...] + b_ref[...]


def kernel(input_ids, word_table, pos_table, sent_table, gamma, beta):
    gathered = _sc_gather_call()(input_ids, word_table, sent_table)

    nsent = B * NS
    R = 8
    out = pl.pallas_call(
        _tc_ln,
        grid=(nsent // R,),
        in_specs=[
            pl.BlockSpec((R, NT, HID), lambda i: (i, 0, 0)),
            pl.BlockSpec((NT, HID), lambda i: (0, 0)),
            pl.BlockSpec((1, HID), lambda i: (0, 0)),
            pl.BlockSpec((1, HID), lambda i: (0, 0)),
        ],
        out_specs=pl.BlockSpec((R, NT, HID), lambda i: (i, 0, 0)),
        out_shape=jax.ShapeDtypeStruct((nsent, NT, HID), jnp.float32),
    )(gathered.reshape(nsent, NT, HID), pos_table,
      gamma.reshape(1, HID), beta.reshape(1, HID))
    return out.reshape(B, NS, NT, HID)

# --- scband reference (transcript-rebuilt; emitter-appended) ---
"""Pipeline reference for scband-bert-embeddings-57990648431113 (READ-ONLY COPY).

The authoritative reference and input builder live on the scoring server;
editing this copy changes nothing except your own understanding.
"""

import jax, jax.numpy as jnp
import numpy as np

VOCAB = 100000
HID = 128
MAXPOS = 512
MAXSENT = 100000
B, NS, NT = 16, 4, 512
EPS = 1e-12


def setup_inputs(seed: int = 0) -> dict:
    key = jax.random.key(seed)
    k0, k1, k2, k3 = jax.random.split(key, 4)
    input_ids = jax.random.randint(k0, (B, NS, NT), 0, VOCAB, dtype=jnp.int32)
    word_table = jax.random.normal(k1, (VOCAB, HID), dtype=jnp.float32) * 0.02
    pos_table = jax.random.normal(k2, (MAXPOS, HID), dtype=jnp.float32) * 0.02
    sent_table = jax.random.normal(k3, (MAXSENT, HID), dtype=jnp.float32) * 0.02
    gamma = jnp.ones((HID,), dtype=jnp.float32)
    beta = jnp.zeros((HID,), dtype=jnp.float32)
    return {
        "input_ids": input_ids,
        "word_table": word_table,
        "pos_table": pos_table,
        "sent_table": sent_table,
        "gamma": gamma,
        "beta": beta,
    }


def _layernorm(x, gamma, beta):
    u = jnp.mean(x, axis=-1, keepdims=True)
    s = jnp.mean((x - u) ** 2, axis=-1, keepdims=True)
    xn = (x - u) / jnp.sqrt(s + EPS)
    return gamma * xn + beta


def reference(input_ids, word_table, pos_table, sent_table, gamma, beta):
    bsz, num_sentences, num_tokens = input_ids.shape
    # word embeddings for tokens 1..NT-1
    word = jnp.take(word_table, input_ids[:, :, 1:], axis=0)
    # position embeddings for positions 1..NT-1, broadcast over (bsz, num_sentences)
    pos = jnp.take(pos_table, jnp.arange(1, num_tokens), axis=0)
    word = word + pos[None, None, :, :]
    # sentence embedding from first token id
    sent = jnp.take(sent_table, input_ids[:, :, :1], axis=0)
    emb = jnp.concatenate([sent, word], axis=2)
    emb = _layernorm(emb, gamma, beta)
    # dropout prob = 0.0 (eval mode) -> identity
    return emb

if __name__ == "__main__":
    import jax
    _d = setup_inputs()
    print(jax.jit(kernel)(*tuple(_d.values())))

</pallas_src>

<mosaic_0001>
#map = affine_map<(d0, d1) -> (0, 0, 0)>
#map1 = affine_map<(d0, d1) -> (0, 0)>
module attributes {stable_mosaic.version = 14 : i64} {
  func.func @_sc_gather(%arg0: i32, %arg1: i32, %arg2: memref<16x4x512xi32, #tpu.memory_space<hbm>>, %arg3: memref<100000x128xf32, #tpu.memory_space<hbm>>, %arg4: memref<100000x128xf32, #tpu.memory_space<hbm>>, %arg5: memref<32768x128xf32, #tpu.memory_space<hbm>>, %arg6: memref<2x4x128xi32, #tpu.memory_space<vmem>>, %arg7: memref<16xi32, #tpu.memory_space<vmem>>, %arg8: memref<128x128xf32, #tpu.memory_space<vmem>>, %arg9: memref<128x128xf32, #tpu.memory_space<vmem>>, %arg10: memref<128x128xf32, #tpu.memory_space<vmem>>, %arg11: memref<128x128xf32, #tpu.memory_space<vmem>>, %arg12: memref<128x128xf32, #tpu.memory_space<vmem>>, %arg13: memref<128x128xf32, #tpu.memory_space<vmem>>, %arg14: memref<128x128xf32, #tpu.memory_space<vmem>>, %arg15: memref<16x128xf32, #tpu.memory_space<vmem>>, %arg16: memref<!tpu.dma_semaphore, #tpu.memory_space<semaphore_mem>>, %arg17: memref<!tpu.dma_semaphore, #tpu.memory_space<semaphore_mem>>, %arg18: memref<!tpu.dma_semaphore, #tpu.memory_space<semaphore_mem>>, %arg19: memref<!tpu.dma_semaphore, #tpu.memory_space<semaphore_mem>>, %arg20: memref<!tpu.dma_semaphore, #tpu.memory_space<semaphore_mem>>, %arg21: memref<!tpu.dma_semaphore, #tpu.memory_space<semaphore_mem>>, %arg22: memref<!tpu.dma_semaphore, #tpu.memory_space<semaphore_mem>>, %arg23: memref<!tpu.dma_semaphore, #tpu.memory_space<semaphore_mem>>, %arg24: memref<!tpu.dma_semaphore, #tpu.memory_space<semaphore_mem>>, %arg25: memref<!tpu.dma_semaphore, #tpu.memory_space<semaphore_mem>>, %arg26: memref<!tpu.dma_semaphore, #tpu.memory_space<semaphore_mem>>, %arg27: memref<!tpu.dma_semaphore, #tpu.memory_space<semaphore_mem>>, %arg28: memref<!tpu.dma_semaphore, #tpu.memory_space<semaphore_mem>>, %arg29: memref<!tpu.dma_semaphore, #tpu.memory_space<semaphore_mem>>, %arg30: memref<!tpu.dma_semaphore, #tpu.memory_space<semaphore_mem>>) attributes {dimension_semantics = [#tpu.dimension_semantics<core_parallel>, #tpu.dimension_semantics<subcore_parallel>], iteration_bounds = array<i64: 2, 16>, scalar_prefetch = 0 : i64, scratch_operands = 25 : i64, tpu.core_type = #tpu.core_type<sc_vector_subcore>, window_params = [{transform_indices = #map}, {transform_indices = #map1}, {transform_indices = #map1}, {transform_indices = #map1}]} {
    %mul3A = arith.constant 2 : i32
    %mul3A_0 = arith.muli %arg1, %mul3A : i32
    %add3A = arith.addi %mul3A_0, %arg0 : i32
    %and3A = arith.constant 3 : i32
    %and3A_1 = arith.andi %add3A, %and3A : i32
    %shift_right_logical3A = arith.constant 2 : i32
    %shift_right_logical3A_2 = arith.shrui %add3A, %shift_right_logical3A : i32
    %eq3A = arith.constant 0 : i32
    %eq3A_3 = arith.cmpi eq, %and3A_1, %eq3A : i32
    %iota3A = tpu.iota {dimensions = array<i32: 0>} : vector<16xi32>
    %broadcast_in_dim3A = arith.constant 0 : i32
    %broadcast_in_dim3A_4 = vector.broadcast %broadcast_in_dim3A : i32 to vector<16xi32>
    %mul3A_5 = arith.constant 2 : i32
    %mul3A_6 = arith.muli %mul3A_5, %shift_right_logical3A_2 : i32
    %mul3A_7 = arith.constant 128 : i32
    %mul3A_8 = arith.muli %and3A_1, %mul3A_7 : i32
    "tpu.region"() ({
      %run_scoped3A = tpu.sem_alloc : memref<!tpu.dma_semaphore, #tpu.memory_space<semaphore_mem>>
      %dma_start3A_694 = arith.constant 0 : i32
      %dma_start3A_695 = tpu.memref_slice %arg2[%mul3A_6, %dma_start3A_694, %mul3A_8] : memref<16x4x512xi32, #tpu.memory_space<hbm>> -> memref<2x4x128xi32, #tpu.memory_space<hbm>>
      %dma_start3A_696 = arith.constant 0 : i32
      %dma_start3A_697 = tpu.memref_slice %arg2[%mul3A_6, %dma_start3A_696, %mul3A_8] : memref<16x4x512xi32, #tpu.memory_space<hbm>> -> memref<2x4x128xi32, #tpu.memory_space<hbm>>
      tpu.enqueue_dma source(%dma_start3A_697 : memref<2x4x128xi32, #tpu.memory_space<hbm>>) target(%arg6 : memref<2x4x128xi32, #tpu.memory_space<vmem>>) target_semaphore(%run_scoped3A : memref<!tpu.dma_semaphore, #tpu.memory_space<semaphore_mem>>)
      %dma_wait3A_698 = arith.constant 0 : i32
      %dma_wait3A_699 = tpu.memref_slice %arg2[%mul3A_6, %dma_wait3A_698, %mul3A_8] : memref<16x4x512xi32, #tpu.memory_space<hbm>> -> memref<2x4x128xi32, #tpu.memory_space<hbm>>
      %dma_wait3A_700 = arith.constant 0 : i32
      %dma_wait3A_701 = tpu.memref_slice %arg2[%mul3A_6, %dma_wait3A_700, %mul3A_8] : memref<16x4x512xi32, #tpu.memory_space<hbm>> -> memref<2x4x128xi32, #tpu.memory_space<hbm>>
      tpu.wait_dma2 semaphore(%run_scoped3A : memref<!tpu.dma_semaphore, #tpu.memory_space<semaphore_mem>>) src(%dma_wait3A_701 : memref<2x4x128xi32, #tpu.memory_space<hbm>>) dst(%arg6 : memref<2x4x128xi32, #tpu.memory_space<vmem>>)
      tpu.yield
    }) : () -> ()
    %and3A_9 = arith.constant 7 : i32
    %and3A_10 = vector.broadcast %and3A_9 : i32 to vector<16xi32>
    %and3A_11 = arith.andi %iota3A, %and3A_10 : vector<16xi32>
    %shift_right_logical3A_12 = arith.constant 2 : i32
    %shift_right_logical3A_13 = vector.broadcast %shift_right_logical3A_12 : i32 to vector<16xi32>
    %shift_right_logical3A_14 = arith.shrui %and3A_11, %shift_right_logical3A_13 : vector<16xi32>
    %and3A_15 = arith.constant 3 : i32
    %and3A_16 = vector.broadcast %and3A_15 : i32 to vector<16xi32>
    %and3A_17 = arith.andi %and3A_11, %and3A_16 : vector<16xi32>
    %gather3A = tpu.vector_load_idx %arg6[%shift_right_logical3A_14, %and3A_17, %broadcast_in_dim3A_4] : memref<2x4x128xi32, #tpu.memory_space<vmem>>[vector<16xi32>, vector<16xi32>, vector<16xi32>], vector<16xi32>,
    %swap3A = arith.constant 0 : index
    %swap3A_18 = tpu.vector_load %arg7[%swap3A] {strides = array<i32>} : memref<16xi32, #tpu.memory_space<vmem>>, vector<16xi32>,
    tpu.vector_store %arg7[%swap3A], %gather3A {strides = array<i32>} : memref<16xi32, #tpu.memory_space<vmem>>, vector<16xi32>,
    %dma_start3A = arith.constant 0 : i32
    %dma_start3A_19 = arith.constant 0 : i32
    %dma_start3A_20 = tpu.memref_slice %arg4[%dma_start3A, %dma_start3A_19] : memref<100000x128xf32, #tpu.memory_space<hbm>> -> memref<100000x128xf32, #tpu.memory_space<hbm>>
    tpu.enqueue_indirect_dma source(%dma_start3A_20 : memref<100000x128xf32, #tpu.memory_space<hbm>>) target(%arg15 : memref<16x128xf32, #tpu.memory_space<vmem>>) offsets(%arg7 : memref<16xi32, #tpu.memory_space<vmem>>) semaphore(%arg30 : memref<!tpu.dma_semaphore, #tpu.memory_space<semaphore_mem>>)
    %dma_start3A_21 = arith.constant 0 : i32
    %dma_start3A_22 = arith.constant 0 : i32
    %dma_start3A_23 = arith.constant 0 : i32
    %dma_start3A_24 = tpu.memref_slice %arg6[%dma_start3A_21, %dma_start3A_22, %dma_start3A_23] : memref<2x4x128xi32, #tpu.memory_space<vmem>> -> memref<1x1x128xi32, #tpu.memory_space<vmem>>
    %dma_start3A_25 = tpu.memref_squeeze %dma_start3A_24 : memref<1x1x128xi32, #tpu.memory_space<vmem>> -> memref<128xi32, #tpu.memory_space<vmem>>
    %dma_start3A_26 = arith.constant 0 : i32
    %dma_start3A_27 = arith.constant 0 : i32
    %dma_start3A_28 = tpu.memref_slice %arg3[%dma_start3A_26, %dma_start3A_27] : memref<100000x128xf32, #tpu.memory_space<hbm>> -> memref<100000x128xf32, #tpu.memory_space<hbm>>
    tpu.enqueue_indirect_dma source(%dma_start3A_28 : memref<100000x128xf32, #tpu.memory_space<hbm>>) target(%arg8 : memref<128x128xf32, #tpu.memory_space<vmem>>) offsets(%dma_start3A_25 : memref<128xi32, #tpu.memory_space<vmem>>) semaphore(%arg16 : memref<!tpu.dma_semaphore, #tpu.memory_space<semaphore_mem>>)
    %dma_start3A_29 = arith.constant 0 : i32
    %dma_start3A_30 = arith.constant 1 : i32
    %dma_start3A_31 = arith.constant 0 : i32
    %dma_start3A_32 = tpu.memref_slice %arg6[%dma_start3A_29, %dma_start3A_30, %dma_start3A_31] : memref<2x4x128xi32, #tpu.memory_space<vmem>> -> memref<1x1x128xi32, #tpu.memory_space<vmem>>
    %dma_start3A_33 = tpu.memref_squeeze %dma_start3A_32 : memref<1x1x128xi32, #tpu.memory_space<vmem>> -> memref<128xi32, #tpu.memory_space<vmem>>
    %dma_start3A_34 = arith.constant 0 : i32
    %dma_start3A_35 = arith.constant 0 : i32
    %dma_start3A_36 = tpu.memref_slice %arg3[%dma_start3A_34, %dma_start3A_35] : memref<100000x128xf32, #tpu.memory_space<hbm>> -> memref<100000x128xf32, #tpu.memory_space<hbm>>
    tpu.enqueue_indirect_dma source(%dma_start3A_36 : memref<100000x128xf32, #tpu.memory_space<hbm>>) target(%arg9 : memref<128x128xf32, #tpu.memory_space<vmem>>) offsets(%dma_start3A_33 : memref<128xi32, #tpu.memory_space<vmem>>) semaphore(%arg17 : memref<!tpu.dma_semaphore, #tpu.memory_space<semaphore_mem>>)
    %dma_start3A_37 = arith.constant 0 : i32
    %dma_start3A_38 = arith.constant 2 : i32
    %dma_start3A_39 = arith.constant 0 : i32
    %dma_start3A_40 = tpu.memref_slice %arg6[%dma_start3A_37, %dma_start3A_38, %dma_start3A_39] : memref<2x4x128xi32, #tpu.memory_space<vmem>> -> memref<1x1x128xi32, #tpu.memory_space<vmem>>
    %dma_start3A_41 = tpu.memref_squeeze %dma_start3A_40 : memref<1x1x128xi32, #tpu.memory_space<vmem>> -> memref<128xi32, #tpu.memory_space<vmem>>
    %dma_start3A_42 = arith.constant 0 : i32
    %dma_start3A_43 = arith.constant 0 : i32
    %dma_start3A_44 = tpu.memref_slice %arg3[%dma_start3A_42, %dma_start3A_43] : memref<100000x128xf32, #tpu.memory_space<hbm>> -> memref<100000x128xf32, #tpu.memory_space<hbm>>
    tpu.enqueue_indirect_dma source(%dma_start3A_44 : memref<100000x128xf32, #tpu.memory_space<hbm>>) target(%arg10 : memref<128x128xf32, #tpu.memory_space<vmem>>) offsets(%dma_start3A_41 : memref<128xi32, #tpu.memory_space<vmem>>) semaphore(%arg18 : memref<!tpu.dma_semaphore, #tpu.memory_space<semaphore_mem>>)
    %dma_start3A_45 = arith.constant 0 : i32
    %dma_start3A_46 = arith.constant 3 : i32
    %dma_start3A_47 = arith.constant 0 : i32
    %dma_start3A_48 = tpu.memref_slice %arg6[%dma_start3A_45, %dma_start3A_46, %dma_start3A_47] : memref<2x4x128xi32, #tpu.memory_space<vmem>> -> memref<1x1x128xi32, #tpu.memory_space<vmem>>
    %dma_start3A_49 = tpu.memref_squeeze %dma_start3A_48 : memref<1x1x128xi32, #tpu.memory_space<vmem>> -> memref<128xi32, #tpu.memory_space<vmem>>
    %dma_start3A_50 = arith.constant 0 : i32
    %dma_start3A_51 = arith.constant 0 : i32
    %dma_start3A_52 = tpu.memref_slice %arg3[%dma_start3A_50, %dma_start3A_51] : memref<100000x128xf32, #tpu.memory_space<hbm>> -> memref<100000x128xf32, #tpu.memory_space<hbm>>
    tpu.enqueue_indirect_dma source(%dma_start3A_52 : memref<100000x128xf32, #tpu.memory_space<hbm>>) target(%arg11 : memref<128x128xf32, #tpu.memory_space<vmem>>) offsets(%dma_start3A_49 : memref<128xi32, #tpu.memory_space<vmem>>) semaphore(%arg19 : memref<!tpu.dma_semaphore, #tpu.memory_space<semaphore_mem>>)
    %dma_start3A_53 = arith.constant 1 : i32
    %dma_start3A_54 = arith.constant 0 : i32
    %dma_start3A_55 = arith.constant 0 : i32
    %dma_start3A_56 = tpu.memref_slice %arg6[%dma_start3A_53, %dma_start3A_54, %dma_start3A_55] : memref<2x4x128xi32, #tpu.memory_space<vmem>> -> memref<1x1x128xi32, #tpu.memory_space<vmem>>
    %dma_start3A_57 = tpu.memref_squeeze %dma_start3A_56 : memref<1x1x128xi32, #tpu.memory_space<vmem>> -> memref<128xi32, #tpu.memory_space<vmem>>
    %dma_start3A_58 = arith.constant 0 : i32
    %dma_start3A_59 = arith.constant 0 : i32
    %dma_start3A_60 = tpu.memref_slice %arg3[%dma_start3A_58, %dma_start3A_59] : memref<100000x128xf32, #tpu.memory_space<hbm>> -> memref<100000x128xf32, #tpu.memory_space<hbm>>
    tpu.enqueue_indirect_dma source(%dma_start3A_60 : memref<100000x128xf32, #tpu.memory_space<hbm>>) target(%arg12 : memref<128x128xf32, #tpu.memory_space<vmem>>) offsets(%dma_start3A_57 : memref<128xi32, #tpu.memory_space<vmem>>) semaphore(%arg20 : memref<!tpu.dma_semaphore, #tpu.memory_space<semaphore_mem>>)
    %dma_start3A_61 = arith.constant 1 : i32
    %dma_start3A_62 = arith.constant 1 : i32
    %dma_start3A_63 = arith.constant 0 : i32
    %dma_start3A_64 = tpu.memref_slice %arg6[%dma_start3A_61, %dma_start3A_62, %dma_start3A_63] : memref<2x4x128xi32, #tpu.memory_space<vmem>> -> memref<1x1x128xi32, #tpu.memory_space<vmem>>
    %dma_start3A_65 = tpu.memref_squeeze %dma_start3A_64 : memref<1x1x128xi32, #tpu.memory_space<vmem>> -> memref<128xi32, #tpu.memory_space<vmem>>
    %dma_start3A_66 = arith.constant 0 : i32
    %dma_start3A_67 = arith.constant 0 : i32
    %dma_start3A_68 = tpu.memref_slice %arg3[%dma_start3A_66, %dma_start3A_67] : memref<100000x128xf32, #tpu.memory_space<hbm>> -> memref<100000x128xf32, #tpu.memory_space<hbm>>
    tpu.enqueue_indirect_dma source(%dma_start3A_68 : memref<100000x128xf32, #tpu.memory_space<hbm>>) target(%arg13 : memref<128x128xf32, #tpu.memory_space<vmem>>) offsets(%dma_start3A_65 : memref<128xi32, #tpu.memory_space<vmem>>) semaphore(%arg21 : memref<!tpu.dma_semaphore, #tpu.memory_space<semaphore_mem>>)
    %dma_start3A_69 = arith.constant 1 : i32
    %dma_start3A_70 = arith.constant 2 : i32
    %dma_start3A_71 = arith.constant 0 : i32
    %dma_start3A_72 = tpu.memref_slice %arg6[%dma_start3A_69, %dma_start3A_70, %dma_start3A_71] : memref<2x4x128xi32, #tpu.memory_space<vmem>> -> memref<1x1x128xi32, #tpu.memory_space<vmem>>
    %dma_start3A_73 = tpu.memref_squeeze %dma_start3A_72 : memref<1x1x128xi32, #tpu.memory_space<vmem>> -> memref<128xi32, #tpu.memory_space<vmem>>
    %dma_start3A_74 = arith.constant 0 : i32
    %dma_start3A_75 = arith.constant 0 : i32
    %dma_start3A_76 = tpu.memref_slice %arg3[%dma_start3A_74, %dma_start3A_75] : memref<100000x128xf32, #tpu.memory_space<hbm>> -> memref<100000x128xf32, #tpu.memory_space<hbm>>
    tpu.enqueue_indirect_dma source(%dma_start3A_76 : memref<100000x128xf32, #tpu.memory_space<hbm>>) target(%arg14 : memref<128x128xf32, #tpu.memory_space<vmem>>) offsets(%dma_start3A_73 : memref<128xi32, #tpu.memory_space<vmem>>) semaphore(%arg22 : memref<!tpu.dma_semaphore, #tpu.memory_space<semaphore_mem>>)
    %dma_wait3A = arith.constant 0 : i32
    %dma_wait3A_77 = arith.constant 0 : i32
    %dma_wait3A_78 = tpu.memref_slice %arg4[%dma_wait3A, %dma_wait3A_77] : memref<100000x128xf32, #tpu.memory_space<hbm>> -> memref<100000x128xf32, #tpu.memory_space<hbm>>
    tpu.wait_indirect_dma semaphore(%arg30 : memref<!tpu.dma_semaphore, #tpu.memory_space<semaphore_mem>>) src(%dma_wait3A_78 : memref<100000x128xf32, #tpu.memory_space<hbm>>) dst(%arg15 : memref<16x128xf32, #tpu.memory_space<vmem>>)
    %dma_wait3A_79 = arith.constant 0 : i32
    %dma_wait3A_80 = arith.constant 0 : i32
    %dma_wait3A_81 = arith.constant 0 : i32
    %dma_wait3A_82 = tpu.memref_slice %arg6[%dma_wait3A_79, %dma_wait3A_80, %dma_wait3A_81] : memref<2x4x128xi32, #tpu.memory_space<vmem>> -> memref<1x1x128xi32, #tpu.memory_space<vmem>>
    %dma_wait3A_83 = tpu.memref_squeeze %dma_wait3A_82 : memref<1x1x128xi32, #tpu.memory_space<vmem>> -> memref<128xi32, #tpu.memory_space<vmem>>
    %dma_wait3A_84 = arith.constant 0 : i32
    %dma_wait3A_85 = arith.constant 0 : i32
    %dma_wait3A_86 = tpu.memref_slice %arg3[%dma_wait3A_84, %dma_wait3A_85] : memref<100000x128xf32, #tpu.memory_space<hbm>> -> memref<100000x128xf32, #tpu.memory_space<hbm>>
    tpu.wait_indirect_dma semaphore(%arg16 : memref<!tpu.dma_semaphore, #tpu.memory_space<semaphore_mem>>) src(%dma_wait3A_86 : memref<100000x128xf32, #tpu.memory_space<hbm>>) dst(%arg8 : memref<128x128xf32, #tpu.memory_space<vmem>>)
    %add3A_87 = arith.constant 0 : i32
    %add3A_88 = vector.broadcast %add3A_87 : i32 to vector<16xi32>
    %add3A_89 = arith.addi %broadcast_in_dim3A_4, %add3A_88 : vector<16xi32>
    %add3A_90 = arith.constant 0 : i32
    %add3A_91 = vector.broadcast %add3A_90 : i32 to vector<16xi32>
    %add3A_92 = arith.addi %iota3A, %add3A_91 : vector<16xi32>
    %gather3A_93 = tpu.vector_load_idx %arg8[%broadcast_in_dim3A_4, %add3A_92] : memref<128x128xf32, #tpu.memory_space<vmem>>[vector<16xi32>, vector<16xi32>], vector<16xf32>,
    %gather3A_94 = tpu.vector_load_idx %arg15[%add3A_89, %add3A_92] : memref<16x128xf32, #tpu.memory_space<vmem>>[vector<16xi32>, vector<16xi32>], vector<16xf32>,
    %select_n3A = arith.select %eq3A_3, %gather3A_94, %gather3A_93 : vector<16xf32>
    tpu.vector_store_idx %arg8[%broadcast_in_dim3A_4, %add3A_92], %select_n3A : memref<128x128xf32, #tpu.memory_space<vmem>>[vector<16xi32>, vector<16xi32>], vector<16xf32>,
    %add3A_95 = arith.constant 16 : i32
    %add3A_96 = vector.broadcast %add3A_95 : i32 to vector<16xi32>
    %add3A_97 = arith.addi %iota3A, %add3A_96 : vector<16xi32>
    %gather3A_98 = tpu.vector_load_idx %arg8[%broadcast_in_dim3A_4, %add3A_97] : memref<128x128xf32, #tpu.memory_space<vmem>>[vector<16xi32>, vector<16xi32>], vector<16xf32>,
    %gather3A_99 = tpu.vector_load_idx %arg15[%add3A_89, %add3A_97] : memref<16x128xf32, #tpu.memory_space<vmem>>[vector<16xi32>, vector<16xi32>], vector<16xf32>,
    %select_n3A_100 = arith.select %eq3A_3, %gather3A_99, %gather3A_98 : vector<16xf32>
    tpu.vector_store_idx %arg8[%broadcast_in_dim3A_4, %add3A_97], %select_n3A_100 : memref<128x128xf32, #tpu.memory_space<vmem>>[vector<16xi32>, vector<16xi32>], vector<16xf32>,
    %add3A_101 = arith.constant 32 : i32
    %add3A_102 = vector.broadcast %add3A_101 : i32 to vector<16xi32>
    %add3A_103 = arith.addi %iota3A, %add3A_102 : vector<16xi32>
    %gather3A_104 = tpu.vector_load_idx %arg8[%broadcast_in_dim3A_4, %add3A_103] : memref<128x128xf32, #tpu.memory_space<vmem>>[vector<16xi32>, vector<16xi32>], vector<16xf32>,
    %gather3A_105 = tpu.vector_load_idx %arg15[%add3A_89, %add3A_103] : memref<16x128xf32, #tpu.memory_space<vmem>>[vector<16xi32>, vector<16xi32>], vector<16xf32>,
    %select_n3A_106 = arith.select %eq3A_3, %gather3A_105, %gather3A_104 : vector<16xf32>
    tpu.vector_store_idx %arg8[%broadcast_in_dim3A_4, %add3A_103], %select_n3A_106 : memref<128x128xf32, #tpu.memory_space<vmem>>[vector<16xi32>, vector<16xi32>], vector<16xf32>,
    %add3A_107 = arith.constant 48 : i32
    %add3A_108 = vector.broadcast %add3A_107 : i32 to vector<16xi32>
    %add3A_109 = arith.addi %iota3A, %add3A_108 : vector<16xi32>
    %gather3A_110 = tpu.vector_load_idx %arg8[%broadcast_in_dim3A_4, %add3A_109] : memref<128x128xf32, #tpu.memory_space<vmem>>[vector<16xi32>, vector<16xi32>], vector<16xf32>,
    %gather3A_111 = tpu.vector_load_idx %arg15[%add3A_89, %add3A_109] : memref<16x128xf32, #tpu.memory_space<vmem>>[vector<16xi32>, vector<16xi32>], vector<16xf32>,
    %select_n3A_112 = arith.select %eq3A_3, %gather3A_111, %gather3A_110 : vector<16xf32>
    tpu.vector_store_idx %arg8[%broadcast_in_dim3A_4, %add3A_109], %select_n3A_112 : memref<128x128xf32, #tpu.memory_space<vmem>>[vector<16xi32>, vector<16xi32>], vector<16xf32>,
    %add3A_113 = arith.constant 64 : i32
    %add3A_114 = vector.broadcast %add3A_113 : i32 to vector<16xi32>
    %add3A_115 = arith.addi %iota3A, %add3A_114 : vector<16xi32>
    %gather3A_116 = tpu.vector_load_idx %arg8[%broadcast_in_dim3A_4, %add3A_115] : memref<128x128xf32, #tpu.memory_space<vmem>>[vector<16xi32>, vector<16xi32>], vector<16xf32>,
    %gather3A_117 = tpu.vector_load_idx %arg15[%add3A_89, %add3A_115] : memref<16x128xf32, #tpu.memory_space<vmem>>[vector<16xi32>, vector<16xi32>], vector<16xf32>,
    %select_n3A_118 = arith.select %eq3A_3, %gather3A_117, %gather3A_116 : vector<16xf32>
    tpu.vector_store_idx %arg8[%broadcast_in_dim3A_4, %add3A_115], %select_n3A_118 : memref<128x128xf32, #tpu.memory_space<vmem>>[vector<16xi32>, vector<16xi32>], vector<16xf32>,
    %add3A_119 = arith.constant 80 : i32
    %add3A_120 = vector.broadcast %add3A_119 : i32 to vector<16xi32>
    %add3A_121 = arith.addi %iota3A, %add3A_120 : vector<16xi32>
    %gather3A_122 = tpu.vector_load_idx %arg8[%broadcast_in_dim3A_4, %add3A_121] : memref<128x128xf32, #tpu.memory_space<vmem>>[vector<16xi32>, vector<16xi32>], vector<16xf32>,
    %gather3A_123 = tpu.vector_load_idx %arg15[%add3A_89, %add3A_121] : memref<16x128xf32, #tpu.memory_space<vmem>>[vector<16xi32>, vector<16xi32>], vector<16xf32>,
    %select_n3A_124 = arith.select %eq3A_3, %gather3A_123, %gather3A_122 : vector<16xf32>
    tpu.vector_store_idx %arg8[%broadcast_in_dim3A_4, %add3A_121], %select_n3A_124 : memref<128x128xf32, #tpu.memory_space<vmem>>[vector<16xi32>, vector<16xi32>], vector<16xf32>,
    %add3A_125 = arith.constant 96 : i32
    %add3A_126 = vector.broadcast %add3A_125 : i32 to vector<16xi32>
    %add3A_127 = arith.addi %iota3A, %add3A_126 : vector<16xi32>
    %gather3A_128 = tpu.vector_load_idx %arg8[%broadcast_in_dim3A_4, %add3A_127] : memref<128x128xf32, #tpu.memory_space<vmem>>[vector<16xi32>, vector<16xi32>], vector<16xf32>,
    %gather3A_129 = tpu.vector_load_idx %arg15[%add3A_89, %add3A_127] : memref<16x128xf32, #tpu.memory_space<vmem>>[vector<16xi32>, vector<16xi32>], vector<16xf32>,
    %select_n3A_130 = arith.select %eq3A_3, %gather3A_129, %gather3A_128 : vector<16xf32>
    tpu.vector_store_idx %arg8[%broadcast_in_dim3A_4, %add3A_127], %select_n3A_130 : memref<128x128xf32, #tpu.memory_space<vmem>>[vector<16xi32>, vector<16xi32>], vector<16xf32>,
    %add3A_131 = arith.constant 112 : i32
    %add3A_132 = vector.broadcast %add3A_131 : i32 to vector<16xi32>
    %add3A_133 = arith.addi %iota3A, %add3A_132 : vector<16xi32>
    %gather3A_134 = tpu.vector_load_idx %arg8[%broadcast_in_dim3A_4, %add3A_133] : memref<128x128xf32, #tpu.memory_space<vmem>>[vector<16xi32>, vector<16xi32>], vector<16xf32>,
    %gather3A_135 = tpu.vector_load_idx %arg15[%add3A_89, %add3A_133] : memref<16x128xf32, #tpu.memory_space<vmem>>[vector<16xi32>, vector<16xi32>], vector<16xf32>,
    %select_n3A_136 = arith.select %eq3A_3, %gather3A_135, %gather3A_134 : vector<16xf32>
    tpu.vector_store_idx %arg8[%broadcast_in_dim3A_4, %add3A_133], %select_n3A_136 : memref<128x128xf32, #tpu.memory_space<vmem>>[vector<16xi32>, vector<16xi32>], vector<16xf32>,
    %mul3A_137 = arith.constant 8 : i32
    %mul3A_138 = arith.muli %mul3A_137, %shift_right_logical3A_2 : i32
    %add3A_139 = arith.constant 0 : i32
    %add3A_140 = arith.addi %mul3A_138, %add3A_139 : i32
    %mul3A_141 = arith.constant 512 : i32
    %mul3A_142 = arith.muli %add3A_140, %mul3A_141 : i32
    %mul3A_143 = arith.constant 128 : i32
    %mul3A_144 = arith.muli %and3A_1, %mul3A_143 : i32
    %add3A_145 = arith.addi %mul3A_142, %mul3A_144 : i32
    %dma_start3A_146 = arith.constant 0 : i32
    %dma_start3A_147 = tpu.memref_slice %arg5[%add3A_145, %dma_start3A_146] : memref<32768x128xf32, #tpu.memory_space<hbm>> -> memref<128x128xf32, #tpu.memory_space<hbm>>
    %dma_start3A_148 = arith.constant 0 : i32
    %dma_start3A_149 = tpu.memref_slice %arg5[%add3A_145, %dma_start3A_148] : memref<32768x128xf32, #tpu.memory_space<hbm>> -> memref<128x128xf32, #tpu.memory_space<hbm>>
    tpu.enqueue_dma source(%arg8 : memref<128x128xf32, #tpu.memory_space<vmem>>) target(%dma_start3A_149 : memref<128x128xf32, #tpu.memory_space<hbm>>) target_semaphore(%arg23 : memref<!tpu.dma_semaphore, #tpu.memory_space<semaphore_mem>>)
    %dma_wait3A_150 = arith.constant 0 : i32
    %dma_wait3A_151 = tpu.memref_slice %arg5[%add3A_145, %dma_wait3A_150] : memref<32768x128xf32, #tpu.memory_space<hbm>> -> memref<128x128xf32, #tpu.memory_space<hbm>>
    %dma_wait3A_152 = arith.constant 0 : i32
    %dma_wait3A_153 = tpu.memref_slice %arg5[%add3A_145, %dma_wait3A_152] : memref<32768x128xf32, #tpu.memory_space<hbm>> -> memref<128x128xf32, #tpu.memory_space<hbm>>
    tpu.wait_dma2 semaphore(%arg23 : memref<!tpu.dma_semaphore, #tpu.memory_space<semaphore_mem>>) src(%arg8 : memref<128x128xf32, #tpu.memory_space<vmem>>) dst(%dma_wait3A_153 : memref<128x128xf32, #tpu.memory_space<hbm>>)
    %dma_start3A_154 = arith.constant 1 : i32
    %dma_start3A_155 = arith.constant 3 : i32
    %dma_start3A_156 = arith.constant 0 : i32
    %dma_start3A_157 = tpu.memref_slice %arg6[%dma_start3A_154, %dma_start3A_155, %dma_start3A_156] : memref<2x4x128xi32, #tpu.memory_space<vmem>> -> memref<1x1x128xi32, #tpu.memory_space<vmem>>
    %dma_start3A_158 = tpu.memref_squeeze %dma_start3A_157 : memref<1x1x128xi32, #tpu.memory_space<vmem>> -> memref<128xi32, #tpu.memory_space<vmem>>
    %dma_start3A_159 = arith.constant 0 : i32
    %dma_start3A_160 = arith.constant 0 : i32
    %dma_start3A_161 = tpu.memref_slice %arg3[%dma_start3A_159, %dma_start3A_160] : memref<100000x128xf32, #tpu.memory_space<hbm>> -> memref<100000x128xf32, #tpu.memory_space<hbm>>
    tpu.enqueue_indirect_dma source(%dma_start3A_161 : memref<100000x128xf32, #tpu.memory_space<hbm>>) target(%arg8 : memref<128x128xf32, #tpu.memory_space<vmem>>) offsets(%dma_start3A_158 : memref<128xi32, #tpu.memory_space<vmem>>) semaphore(%arg16 : memref<!tpu.dma_semaphore, #tpu.memory_space<semaphore_mem>>)
    %dma_wait3A_162 = arith.constant 0 : i32
    %dma_wait3A_163 = arith.constant 1 : i32
    %dma_wait3A_164 = arith.constant 0 : i32
    %dma_wait3A_165 = tpu.memref_slice %arg6[%dma_wait3A_162, %dma_wait3A_163, %dma_wait3A_164] : memref<2x4x128xi32, #tpu.memory_space<vmem>> -> memref<1x1x128xi32, #tpu.memory_space<vmem>>
    %dma_wait3A_166 = tpu.memref_squeeze %dma_wait3A_165 : memref<1x1x128xi32, #tpu.memory_space<vmem>> -> memref<128xi32, #tpu.memory_space<vmem>>
    %dma_wait3A_167 = arith.constant 0 : i32
    %dma_wait3A_168 = arith.constant 0 : i32
    %dma_wait3A_169 = tpu.memref_slice %arg3[%dma_wait3A_167, %dma_wait3A_168] : memref<100000x128xf32, #tpu.memory_space<hbm>> -> memref<100000x128xf32, #tpu.memory_space<hbm>>
    tpu.wait_indirect_dma semaphore(%arg17 : memref<!tpu.dma_semaphore, #tpu.memory_space<semaphore_mem>>) src(%dma_wait3A_169 : memref<100000x128xf32, #tpu.memory_space<hbm>>) dst(%arg9 : memref<128x128xf32, #tpu.memory_space<vmem>>)
    %add3A_170 = arith.constant 1 : i32
    %add3A_171 = vector.broadcast %add3A_170 : i32 to vector<16xi32>
    %add3A_172 = arith.addi %broadcast_in_dim3A_4, %add3A_171 : vector<16xi32>
    %add3A_173 = arith.constant 0 : i32
    %add3A_174 = vector.broadcast %add3A_173 : i32 to vector<16xi32>
    %add3A_175 = arith.addi %iota3A, %add3A_174 : vector<16xi32>
    %gather3A_176 = tpu.vector_load_idx %arg9[%broadcast_in_dim3A_4, %add3A_175] : memref<128x128xf32, #tpu.memory_space<vmem>>[vector<16xi32>, vector<16xi32>], vector<16xf32>,
    %gather3A_177 = tpu.vector_load_idx %arg15[%add3A_172, %add3A_175] : memref<16x128xf32, #tpu.memory_space<vmem>>[vector<16xi32>, vector<16xi32>], vector<16xf32>,
    %select_n3A_178 = arith.select %eq3A_3, %gather3A_177, %gather3A_176 : vector<16xf32>
    tpu.vector_store_idx %arg9[%broadcast_in_dim3A_4, %add3A_175], %select_n3A_178 : memref<128x128xf32, #tpu.memory_space<vmem>>[vector<16xi32>, vector<16xi32>], vector<16xf32>,
    %add3A_179 = arith.constant 16 : i32
    %add3A_180 = vector.broadcast %add3A_179 : i32 to vector<16xi32>
    %add3A_181 = arith.addi %iota3A, %add3A_180 : vector<16xi32>
    %gather3A_182 = tpu.vector_load_idx %arg9[%broadcast_in_dim3A_4, %add3A_181] : memref<128x128xf32, #tpu.memory_space<vmem>>[vector<16xi32>, vector<16xi32>], vector<16xf32>,
    %gather3A_183 = tpu.vector_load_idx %arg15[%add3A_172, %add3A_181] : memref<16x128xf32, #tpu.memory_space<vmem>>[vector<16xi32>, vector<16xi32>], vector<16xf32>,
    %select_n3A_184 = arith.select %eq3A_3, %gather3A_183, %gather3A_182 : vector<16xf32>
    tpu.vector_store_idx %arg9[%broadcast_in_dim3A_4, %add3A_181], %select_n3A_184 : memref<128x128xf32, #tpu.memory_space<vmem>>[vector<16xi32>, vector<16xi32>], vector<16xf32>,
    %add3A_185 = arith.constant 32 : i32
    %add3A_186 = vector.broadcast %add3A_185 : i32 to vector<16xi32>
    %add3A_187 = arith.addi %iota3A, %add3A_186 : vector<16xi32>
    %gather3A_188 = tpu.vector_load_idx %arg9[%broadcast_in_dim3A_4, %add3A_187] : memref<128x128xf32, #tpu.memory_space<vmem>>[vector<16xi32>, vector<16xi32>], vector<16xf32>,
    %gather3A_189 = tpu.vector_load_idx %arg15[%add3A_172, %add3A_187] : memref<16x128xf32, #tpu.memory_space<vmem>>[vector<16xi32>, vector<16xi32>], vector<16xf32>,
    %select_n3A_190 = arith.select %eq3A_3, %gather3A_189, %gather3A_188 : vector<16xf32>
    tpu.vector_store_idx %arg9[%broadcast_in_dim3A_4, %add3A_187], %select_n3A_190 : memref<128x128xf32, #tpu.memory_space<vmem>>[vector<16xi32>, vector<16xi32>], vector<16xf32>,
    %add3A_191 = arith.constant 48 : i32
    %add3A_192 = vector.broadcast %add3A_191 : i32 to vector<16xi32>
    %add3A_193 = arith.addi %iota3A, %add3A_192 : vector<16xi32>
    %gather3A_194 = tpu.vector_load_idx %arg9[%broadcast_in_dim3A_4, %add3A_193] : memref<128x128xf32, #tpu.memory_space<vmem>>[vector<16xi32>, vector<16xi32>], vector<16xf32>,
    %gather3A_195 = tpu.vector_load_idx %arg15[%add3A_172, %add3A_193] : memref<16x128xf32, #tpu.memory_space<vmem>>[vector<16xi32>, vector<16xi32>], vector<16xf32>,
    %select_n3A_196 = arith.select %eq3A_3, %gather3A_195, %gather3A_194 : vector<16xf32>
    tpu.vector_store_idx %arg9[%broadcast_in_dim3A_4, %add3A_193], %select_n3A_196 : memref<128x128xf32, #tpu.memory_space<vmem>>[vector<16xi32>, vector<16xi32>], vector<16xf32>,
    %add3A_197 = arith.constant 64 : i32
    %add3A_198 = vector.broadcast %add3A_197 : i32 to vector<16xi32>
    %add3A_199 = arith.addi %iota3A, %add3A_198 : vector<16xi32>
    %gather3A_200 = tpu.vector_load_idx %arg9[%broadcast_in_dim3A_4, %add3A_199] : memref<128x128xf32, #tpu.memory_space<vmem>>[vector<16xi32>, vector<16xi32>], vector<16xf32>,
    %gather3A_201 = tpu.vector_load_idx %arg15[%add3A_172, %add3A_199] : memref<16x128xf32, #tpu.memory_space<vmem>>[vector<16xi32>, vector<16xi32>], vector<16xf32>,
    %select_n3A_202 = arith.select %eq3A_3, %gather3A_201, %gather3A_200 : vector<16xf32>
    tpu.vector_store_idx %arg9[%broadcast_in_dim3A_4, %add3A_199], %select_n3A_202 : memref<128x128xf32, #tpu.memory_space<vmem>>[vector<16xi32>, vector<16xi32>], vector<16xf32>,
    %add3A_203 = arith.constant 80 : i32
    %add3A_204 = vector.broadcast %add3A_203 : i32 to vector<16xi32>
    %add3A_205 = arith.addi %iota3A, %add3A_204 : vector<16xi32>
    %gather3A_206 = tpu.vector_load_idx %arg9[%broadcast_in_dim3A_4, %add3A_205] : memref<128x128xf32, #tpu.memory_space<vmem>>[vector<16xi32>, vector<16xi32>], vector<16xf32>,
    %gather3A_207 = tpu.vector_load_idx %arg15[%add3A_172, %add3A_205] : memref<16x128xf32, #tpu.memory_space<vmem>>[vector<16xi32>, vector<16xi32>], vector<16xf32>,
    %select_n3A_208 = arith.select %eq3A_3, %gather3A_207, %gather3A_206 : vector<16xf32>
    tpu.vector_store_idx %arg9[%broadcast_in_dim3A_4, %add3A_205], %select_n3A_208 : memref<128x128xf32, #tpu.memory_space<vmem>>[vector<16xi32>, vector<16xi32>], vector<16xf32>,
    %add3A_209 = arith.constant 96 : i32
    %add3A_210 = vector.broadcast %add3A_209 : i32 to vector<16xi32>
    %add3A_211 = arith.addi %iota3A, %add3A_210 : vector<16xi32>
    %gather3A_212 = tpu.vector_load_idx %arg9[%broadcast_in_dim3A_4, %add3A_211] : memref<128x128xf32, #tpu.memory_space<vmem>>[vector<16xi32>, vector<16xi32>], vector<16xf32>,
    %gather3A_213 = tpu.vector_load_idx %arg15[%add3A_172, %add3A_211] : memref<16x128xf32, #tpu.memory_space<vmem>>[vector<16xi32>, vector<16xi32>], vector<16xf32>,
    %select_n3A_214 = arith.select %eq3A_3, %gather3A_213, %gather3A_212 : vector<16xf32>
    tpu.vector_store_idx %arg9[%broadcast_in_dim3A_4, %add3A_211], %select_n3A_214 : memref<128x128xf32, #tpu.memory_space<vmem>>[vector<16xi32>, vector<16xi32>], vector<16xf32>,
    %add3A_215 = arith.constant 112 : i32
    %add3A_216 = vector.broadcast %add3A_215 : i32 to vector<16xi32>
    %add3A_217 = arith.addi %iota3A, %add3A_216 : vector<16xi32>
    %gather3A_218 = tpu.vector_load_idx %arg9[%broadcast_in_dim3A_4, %add3A_217] : memref<128x128xf32, #tpu.memory_space<vmem>>[vector<16xi32>, vector<16xi32>], vector<16xf32>,
    %gather3A_219 = tpu.vector_load_idx %arg15[%add3A_172, %add3A_217] : memref<16x128xf32, #tpu.memory_space<vmem>>[vector<16xi32>, vector<16xi32>], vector<16xf32>,
    %select_n3A_220 = arith.select %eq3A_3, %gather3A_219, %gather3A_218 : vector<16xf32>
    tpu.vector_store_idx %arg9[%broadcast_in_dim3A_4, %add3A_217], %select_n3A_220 : memref<128x128xf32, #tpu.memory_space<vmem>>[vector<16xi32>, vector<16xi32>], vector<16xf32>,
    %mul3A_221 = arith.constant 8 : i32
    %mul3A_222 = arith.muli %mul3A_221, %shift_right_logical3A_2 : i32
    %add3A_223 = arith.constant 1 : i32
    %add3A_224 = arith.addi %mul3A_222, %add3A_223 : i32
    %mul3A_225 = arith.constant 512 : i32
    %mul3A_226 = arith.muli %add3A_224, %mul3A_225 : i32
    %mul3A_227 = arith.constant 128 : i32
    %mul3A_228 = arith.muli %and3A_1, %mul3A_227 : i32
    %add3A_229 = arith.addi %mul3A_226, %mul3A_228 : i32
    %dma_start3A_230 = arith.constant 0 : i32
    %dma_start3A_231 = tpu.memref_slice %arg5[%add3A_229, %dma_start3A_230] : memref<32768x128xf32, #tpu.memory_space<hbm>> -> memref<128x128xf32, #tpu.memory_space<hbm>>
    %dma_start3A_232 = arith.constant 0 : i32
    %dma_start3A_233 = tpu.memref_slice %arg5[%add3A_229, %dma_start3A_232] : memref<32768x128xf32, #tpu.memory_space<hbm>> -> memref<128x128xf32, #tpu.memory_space<hbm>>
    tpu.enqueue_dma source(%arg9 : memref<128x128xf32, #tpu.memory_space<vmem>>) target(%dma_start3A_233 : memref<128x128xf32, #tpu.memory_space<hbm>>) target_semaphore(%arg24 : memref<!tpu.dma_semaphore, #tpu.memory_space<semaphore_mem>>)
    %dma_wait3A_234 = arith.constant 0 : i32
    %dma_wait3A_235 = arith.constant 2 : i32
    %dma_wait3A_236 = arith.constant 0 : i32
    %dma_wait3A_237 = tpu.memref_slice %arg6[%dma_wait3A_234, %dma_wait3A_235, %dma_wait3A_236] : memref<2x4x128xi32, #tpu.memory_space<vmem>> -> memref<1x1x128xi32, #tpu.memory_space<vmem>>
    %dma_wait3A_238 = tpu.memref_squeeze %dma_wait3A_237 : memref<1x1x128xi32, #tpu.memory_space<vmem>> -> memref<128xi32, #tpu.memory_space<vmem>>
    %dma_wait3A_239 = arith.constant 0 : i32
    %dma_wait3A_240 = arith.constant 0 : i32
    %dma_wait3A_241 = tpu.memref_slice %arg3[%dma_wait3A_239, %dma_wait3A_240] : memref<100000x128xf32, #tpu.memory_space<hbm>> -> memref<100000x128xf32, #tpu.memory_space<hbm>>
    tpu.wait_indirect_dma semaphore(%arg18 : memref<!tpu.dma_semaphore, #tpu.memory_space<semaphore_mem>>) src(%dma_wait3A_241 : memref<100000x128xf32, #tpu.memory_space<hbm>>) dst(%arg10 : memref<128x128xf32, #tpu.memory_space<vmem>>)
    %add3A_242 = arith.constant 2 : i32
    %add3A_243 = vector.broadcast %add3A_242 : i32 to vector<16xi32>
    %add3A_244 = arith.addi %broadcast_in_dim3A_4, %add3A_243 : vector<16xi32>
    %add3A_245 = arith.constant 0 : i32
    %add3A_246 = vector.broadcast %add3A_245 : i32 to vector<16xi32>
    %add3A_247 = arith.addi %iota3A, %add3A_246 : vector<16xi32>
    %gather3A_248 = tpu.vector_load_idx %arg10[%broadcast_in_dim3A_4, %add3A_247] : memref<128x128xf32, #tpu.memory_space<vmem>>[vector<16xi32>, vector<16xi32>], vector<16xf32>,
    %gather3A_249 = tpu.vector_load_idx %arg15[%add3A_244, %add3A_247] : memref<16x128xf32, #tpu.memory_space<vmem>>[vector<16xi32>, vector<16xi32>], vector<16xf32>,
    %select_n3A_250 = arith.select %eq3A_3, %gather3A_249, %gather3A_248 : vector<16xf32>
    tpu.vector_store_idx %arg10[%broadcast_in_dim3A_4, %add3A_247], %select_n3A_250 : memref<128x128xf32, #tpu.memory_space<vmem>>[vector<16xi32>, vector<16xi32>], vector<16xf32>,
    %add3A_251 = arith.constant 16 : i32
    %add3A_252 = vector.broadcast %add3A_251 : i32 to vector<16xi32>
    %add3A_253 = arith.addi %iota3A, %add3A_252 : vector<16xi32>
    %gather3A_254 = tpu.vector_load_idx %arg10[%broadcast_in_dim3A_4, %add3A_253] : memref<128x128xf32, #tpu.memory_space<vmem>>[vector<16xi32>, vector<16xi32>], vector<16xf32>,
    %gather3A_255 = tpu.vector_load_idx %arg15[%add3A_244, %add3A_253] : memref<16x128xf32, #tpu.memory_space<vmem>>[vector<16xi32>, vector<16xi32>], vector<16xf32>,
    %select_n3A_256 = arith.select %eq3A_3, %gather3A_255, %gather3A_254 : vector<16xf32>
    tpu.vector_store_idx %arg10[%broadcast_in_dim3A_4, %add3A_253], %select_n3A_256 : memref<128x128xf32, #tpu.memory_space<vmem>>[vector<16xi32>, vector<16xi32>], vector<16xf32>,
    %add3A_257 = arith.constant 32 : i32
    %add3A_258 = vector.broadcast %add3A_257 : i32 to vector<16xi32>
    %add3A_259 = arith.addi %iota3A, %add3A_258 : vector<16xi32>
    %gather3A_260 = tpu.vector_load_idx %arg10[%broadcast_in_dim3A_4, %add3A_259] : memref<128x128xf32, #tpu.memory_space<vmem>>[vector<16xi32>, vector<16xi32>], vector<16xf32>,
    %gather3A_261 = tpu.vector_load_idx %arg15[%add3A_244, %add3A_259] : memref<16x128xf32, #tpu.memory_space<vmem>>[vector<16xi32>, vector<16xi32>], vector<16xf32>,
    %select_n3A_262 = arith.select %eq3A_3, %gather3A_261, %gather3A_260 : vector<16xf32>
    tpu.vector_store_idx %arg10[%broadcast_in_dim3A_4, %add3A_259], %select_n3A_262 : memref<128x128xf32, #tpu.memory_space<vmem>>[vector<16xi32>, vector<16xi32>], vector<16xf32>,
    %add3A_263 = arith.constant 48 : i32
    %add3A_264 = vector.broadcast %add3A_263 : i32 to vector<16xi32>
    %add3A_265 = arith.addi %iota3A, %add3A_264 : vector<16xi32>
    %gather3A_266 = tpu.vector_load_idx %arg10[%broadcast_in_dim3A_4, %add3A_265] : memref<128x128xf32, #tpu.memory_space<vmem>>[vector<16xi32>, vector<16xi32>], vector<16xf32>,
    %gather3A_267 = tpu.vector_load_idx %arg15[%add3A_244, %add3A_265] : memref<16x128xf32, #tpu.memory_space<vmem>>[vector<16xi32>, vector<16xi32>], vector<16xf32>,
    %select_n3A_268 = arith.select %eq3A_3, %gather3A_267, %gather3A_266 : vector<16xf32>
    tpu.vector_store_idx %arg10[%broadcast_in_dim3A_4, %add3A_265], %select_n3A_268 : memref<128x128xf32, #tpu.memory_space<vmem>>[vector<16xi32>, vector<16xi32>], vector<16xf32>,
    %add3A_269 = arith.constant 64 : i32
    %add3A_270 = vector.broadcast %add3A_269 : i32 to vector<16xi32>
    %add3A_271 = arith.addi %iota3A, %add3A_270 : vector<16xi32>
    %gather3A_272 = tpu.vector_load_idx %arg10[%broadcast_in_dim3A_4, %add3A_271] : memref<128x128xf32, #tpu.memory_space<vmem>>[vector<16xi32>, vector<16xi32>], vector<16xf32>,
    %gather3A_273 = tpu.vector_load_idx %arg15[%add3A_244, %add3A_271] : memref<16x128xf32, #tpu.memory_space<vmem>>[vector<16xi32>, vector<16xi32>], vector<16xf32>,
    %select_n3A_274 = arith.select %eq3A_3, %gather3A_273, %gather3A_272 : vector<16xf32>
    tpu.vector_store_idx %arg10[%broadcast_in_dim3A_4, %add3A_271], %select_n3A_274 : memref<128x128xf32, #tpu.memory_space<vmem>>[vector<16xi32>, vector<16xi32>], vector<16xf32>,
    %add3A_275 = arith.constant 80 : i32
    %add3A_276 = vector.broadcast %add3A_275 : i32 to vector<16xi32>
    %add3A_277 = arith.addi %iota3A, %add3A_276 : vector<16xi32>
    %gather3A_278 = tpu.vector_load_idx %arg10[%broadcast_in_dim3A_4, %add3A_277] : memref<128x128xf32, #tpu.memory_space<vmem>>[vector<16xi32>, vector<16xi32>], vector<16xf32>,
    %gather3A_279 = tpu.vector_load_idx %arg15[%add3A_244, %add3A_277] : memref<16x128xf32, #tpu.memory_space<vmem>>[vector<16xi32>, vector<16xi32>], vector<16xf32>,
    %select_n3A_280 = arith.select %eq3A_3, %gather3A_279, %gather3A_278 : vector<16xf32>
    tpu.vector_store_idx %arg10[%broadcast_in_dim3A_4, %add3A_277], %select_n3A_280 : memref<128x128xf32, #tpu.memory_space<vmem>>[vector<16xi32>, vector<16xi32>], vector<16xf32>,
    %add3A_281 = arith.constant 96 : i32
    %add3A_282 = vector.broadcast %add3A_281 : i32 to vector<16xi32>
    %add3A_283 = arith.addi %iota3A, %add3A_282 : vector<16xi32>
    %gather3A_284 = tpu.vector_load_idx %arg10[%broadcast_in_dim3A_4, %add3A_283] : memref<128x128xf32, #tpu.memory_space<vmem>>[vector<16xi32>, vector<16xi32>], vector<16xf32>,
    %gather3A_285 = tpu.vector_load_idx %arg15[%add3A_244, %add3A_283] : memref<16x128xf32, #tpu.memory_space<vmem>>[vector<16xi32>, vector<16xi32>], vector<16xf32>,
    %select_n3A_286 = arith.select %eq3A_3, %gather3A_285, %gather3A_284 : vector<16xf32>
    tpu.vector_store_idx %arg10[%broadcast_in_dim3A_4, %add3A_283], %select_n3A_286 : memref<128x128xf32, #tpu.memory_space<vmem>>[vector<16xi32>, vector<16xi32>], vector<16xf32>,
    %add3A_287 = arith.constant 112 : i32
    %add3A_288 = vector.broadcast %add3A_287 : i32 to vector<16xi32>
    %add3A_289 = arith.addi %iota3A, %add3A_288 : vector<16xi32>
    %gather3A_290 = tpu.vector_load_idx %arg10[%broadcast_in_dim3A_4, %add3A_289] : memref<128x128xf32, #tpu.memory_space<vmem>>[vector<16xi32>, vector<16xi32>], vector<16xf32>,
    %gather3A_291 = tpu.vector_load_idx %arg15[%add3A_244, %add3A_289] : memref<16x128xf32, #tpu.memory_space<vmem>>[vector<16xi32>, vector<16xi32>], vector<16xf32>,
    %select_n3A_292 = arith.select %eq3A_3, %gather3A_291, %gather3A_290 : vector<16xf32>
    tpu.vector_store_idx %arg10[%broadcast_in_dim3A_4, %add3A_289], %select_n3A_292 : memref<128x128xf32, #tpu.memory_space<vmem>>[vector<16xi32>, vector<16xi32>], vector<16xf32>,
    %mul3A_293 = arith.constant 8 : i32
    %mul3A_294 = arith.muli %mul3A_293, %shift_right_logical3A_2 : i32
    %add3A_295 = arith.constant 2 : i32
    %add3A_296 = arith.addi %mul3A_294, %add3A_295 : i32
    %mul3A_297 = arith.constant 512 : i32
    %mul3A_298 = arith.muli %add3A_296, %mul3A_297 : i32
    %mul3A_299 = arith.constant 128 : i32
    %mul3A_300 = arith.muli %and3A_1, %mul3A_299 : i32
    %add3A_301 = arith.addi %mul3A_298, %mul3A_300 : i32
    %dma_start3A_302 = arith.constant 0 : i32
    %dma_start3A_303 = tpu.memref_slice %arg5[%add3A_301, %dma_start3A_302] : memref<32768x128xf32, #tpu.memory_space<hbm>> -> memref<128x128xf32, #tpu.memory_space<hbm>>
    %dma_start3A_304 = arith.constant 0 : i32
    %dma_start3A_305 = tpu.memref_slice %arg5[%add3A_301, %dma_start3A_304] : memref<32768x128xf32, #tpu.memory_space<hbm>> -> memref<128x128xf32, #tpu.memory_space<hbm>>
    tpu.enqueue_dma source(%arg10 : memref<128x128xf32, #tpu.memory_space<vmem>>) target(%dma_start3A_305 : memref<128x128xf32, #tpu.memory_space<hbm>>) target_semaphore(%arg25 : memref<!tpu.dma_semaphore, #tpu.memory_space<semaphore_mem>>)
    %dma_wait3A_306 = arith.constant 0 : i32
    %dma_wait3A_307 = arith.constant 3 : i32
    %dma_wait3A_308 = arith.constant 0 : i32
    %dma_wait3A_309 = tpu.memref_slice %arg6[%dma_wait3A_306, %dma_wait3A_307, %dma_wait3A_308] : memref<2x4x128xi32, #tpu.memory_space<vmem>> -> memref<1x1x128xi32, #tpu.memory_space<vmem>>
    %dma_wait3A_310 = tpu.memref_squeeze %dma_wait3A_309 : memref<1x1x128xi32, #tpu.memory_space<vmem>> -> memref<128xi32, #tpu.memory_space<vmem>>
    %dma_wait3A_311 = arith.constant 0 : i32
    %dma_wait3A_312 = arith.constant 0 : i32
    %dma_wait3A_313 = tpu.memref_slice %arg3[%dma_wait3A_311, %dma_wait3A_312] : memref<100000x128xf32, #tpu.memory_space<hbm>> -> memref<100000x128xf32, #tpu.memory_space<hbm>>
    tpu.wait_indirect_dma semaphore(%arg19 : memref<!tpu.dma_semaphore, #tpu.memory_space<semaphore_mem>>) src(%dma_wait3A_313 : memref<100000x128xf32, #tpu.memory_space<hbm>>) dst(%arg11 : memref<128x128xf32, #tpu.memory_space<vmem>>)
    %add3A_314 = arith.constant 3 : i32
    %add3A_315 = vector.broadcast %add3A_314 : i32 to vector<16xi32>
    %add3A_316 = arith.addi %broadcast_in_dim3A_4, %add3A_315 : vector<16xi32>
    %add3A_317 = arith.constant 0 : i32
    %add3A_318 = vector.broadcast %add3A_317 : i32 to vector<16xi32>
    %add3A_319 = arith.addi %iota3A, %add3A_318 : vector<16xi32>
    %gather3A_320 = tpu.vector_load_idx %arg11[%broadcast_in_dim3A_4, %add3A_319] : memref<128x128xf32, #tpu.memory_space<vmem>>[vector<16xi32>, vector<16xi32>], vector<16xf32>,
    %gather3A_321 = tpu.vector_load_idx %arg15[%add3A_316, %add3A_319] : memref<16x128xf32, #tpu.memory_space<vmem>>[vector<16xi32>, vector<16xi32>], vector<16xf32>,
    %select_n3A_322 = arith.select %eq3A_3, %gather3A_321, %gather3A_320 : vector<16xf32>
    tpu.vector_store_idx %arg11[%broadcast_in_dim3A_4, %add3A_319], %select_n3A_322 : memref<128x128xf32, #tpu.memory_space<vmem>>[vector<16xi32>, vector<16xi32>], vector<16xf32>,
    %add3A_323 = arith.constant 16 : i32
    %add3A_324 = vector.broadcast %add3A_323 : i32 to vector<16xi32>
    %add3A_325 = arith.addi %iota3A, %add3A_324 : vector<16xi32>
    %gather3A_326 = tpu.vector_load_idx %arg11[%broadcast_in_dim3A_4, %add3A_325] : memref<128x128xf32, #tpu.memory_space<vmem>>[vector<16xi32>, vector<16xi32>], vector<16xf32>,
    %gather3A_327 = tpu.vector_load_idx %arg15[%add3A_316, %add3A_325] : memref<16x128xf32, #tpu.memory_space<vmem>>[vector<16xi32>, vector<16xi32>], vector<16xf32>,
    %select_n3A_328 = arith.select %eq3A_3, %gather3A_327, %gather3A_326 : vector<16xf32>
    tpu.vector_store_idx %arg11[%broadcast_in_dim3A_4, %add3A_325], %select_n3A_328 : memref<128x128xf32, #tpu.memory_space<vmem>>[vector<16xi32>, vector<16xi32>], vector<16xf32>,
    %add3A_329 = arith.constant 32 : i32
    %add3A_330 = vector.broadcast %add3A_329 : i32 to vector<16xi32>
    %add3A_331 = arith.addi %iota3A, %add3A_330 : vector<16xi32>
    %gather3A_332 = tpu.vector_load_idx %arg11[%broadcast_in_dim3A_4, %add3A_331] : memref<128x128xf32, #tpu.memory_space<vmem>>[vector<16xi32>, vector<16xi32>], vector<16xf32>,
    %gather3A_333 = tpu.vector_load_idx %arg15[%add3A_316, %add3A_331] : memref<16x128xf32, #tpu.memory_space<vmem>>[vector<16xi32>, vector<16xi32>], vector<16xf32>,
    %select_n3A_334 = arith.select %eq3A_3, %gather3A_333, %gather3A_332 : vector<16xf32>
    tpu.vector_store_idx %arg11[%broadcast_in_dim3A_4, %add3A_331], %select_n3A_334 : memref<128x128xf32, #tpu.memory_space<vmem>>[vector<16xi32>, vector<16xi32>], vector<16xf32>,
    %add3A_335 = arith.constant 48 : i32
    %add3A_336 = vector.broadcast %add3A_335 : i32 to vector<16xi32>
    %add3A_337 = arith.addi %iota3A, %add3A_336 : vector<16xi32>
    %gather3A_338 = tpu.vector_load_idx %arg11[%broadcast_in_dim3A_4, %add3A_337] : memref<128x128xf32, #tpu.memory_space<vmem>>[vector<16xi32>, vector<16xi32>], vector<16xf32>,
    %gather3A_339 = tpu.vector_load_idx %arg15[%add3A_316, %add3A_337] : memref<16x128xf32, #tpu.memory_space<vmem>>[vector<16xi32>, vector<16xi32>], vector<16xf32>,
    %select_n3A_340 = arith.select %eq3A_3, %gather3A_339, %gather3A_338 : vector<16xf32>
    tpu.vector_store_idx %arg11[%broadcast_in_dim3A_4, %add3A_337], %select_n3A_340 : memref<128x128xf32, #tpu.memory_space<vmem>>[vector<16xi32>, vector<16xi32>], vector<16xf32>,
    %add3A_341 = arith.constant 64 : i32
    %add3A_342 = vector.broadcast %add3A_341 : i32 to vector<16xi32>
    %add3A_343 = arith.addi %iota3A, %add3A_342 : vector<16xi32>
    %gather3A_344 = tpu.vector_load_idx %arg11[%broadcast_in_dim3A_4, %add3A_343] : memref<128x128xf32, #tpu.memory_space<vmem>>[vector<16xi32>, vector<16xi32>], vector<16xf32>,
    %gather3A_345 = tpu.vector_load_idx %arg15[%add3A_316, %add3A_343] : memref<16x128xf32, #tpu.memory_space<vmem>>[vector<16xi32>, vector<16xi32>], vector<16xf32>,
    %select_n3A_346 = arith.select %eq3A_3, %gather3A_345, %gather3A_344 : vector<16xf32>
    tpu.vector_store_idx %arg11[%broadcast_in_dim3A_4, %add3A_343], %select_n3A_346 : memref<128x128xf32, #tpu.memory_space<vmem>>[vector<16xi32>, vector<16xi32>], vector<16xf32>,
    %add3A_347 = arith.constant 80 : i32
    %add3A_348 = vector.broadcast %add3A_347 : i32 to vector<16xi32>
    %add3A_349 = arith.addi %iota3A, %add3A_348 : vector<16xi32>
    %gather3A_350 = tpu.vector_load_idx %arg11[%broadcast_in_dim3A_4, %add3A_349] : memref<128x128xf32, #tpu.memory_space<vmem>>[vector<16xi32>, vector<16xi32>], vector<16xf32>,
    %gather3A_351 = tpu.vector_load_idx %arg15[%add3A_316, %add3A_349] : memref<16x128xf32, #tpu.memory_space<vmem>>[vector<16xi32>, vector<16xi32>], vector<16xf32>,
    %select_n3A_352 = arith.select %eq3A_3, %gather3A_351, %gather3A_350 : vector<16xf32>
    tpu.vector_store_idx %arg11[%broadcast_in_dim3A_4, %add3A_349], %select_n3A_352 : memref<128x128xf32, #tpu.memory_space<vmem>>[vector<16xi32>, vector<16xi32>], vector<16xf32>,
    %add3A_353 = arith.constant 96 : i32
    %add3A_354 = vector.broadcast %add3A_353 : i32 to vector<16xi32>
    %add3A_355 = arith.addi %iota3A, %add3A_354 : vector<16xi32>
    %gather3A_356 = tpu.vector_load_idx %arg11[%broadcast_in_dim3A_4, %add3A_355] : memref<128x128xf32, #tpu.memory_space<vmem>>[vector<16xi32>, vector<16xi32>], vector<16xf32>,
    %gather3A_357 = tpu.vector_load_idx %arg15[%add3A_316, %add3A_355] : memref<16x128xf32, #tpu.memory_space<vmem>>[vector<16xi32>, vector<16xi32>], vector<16xf32>,
    %select_n3A_358 = arith.select %eq3A_3, %gather3A_357, %gather3A_356 : vector<16xf32>
    tpu.vector_store_idx %arg11[%broadcast_in_dim3A_4, %add3A_355], %select_n3A_358 : memref<128x128xf32, #tpu.memory_space<vmem>>[vector<16xi32>, vector<16xi32>], vector<16xf32>,
    %add3A_359 = arith.constant 112 : i32
    %add3A_360 = vector.broadcast %add3A_359 : i32 to vector<16xi32>
    %add3A_361 = arith.addi %iota3A, %add3A_360 : vector<16xi32>
    %gather3A_362 = tpu.vector_load_idx %arg11[%broadcast_in_dim3A_4, %add3A_361] : memref<128x128xf32, #tpu.memory_space<vmem>>[vector<16xi32>, vector<16xi32>], vector<16xf32>,
    %gather3A_363 = tpu.vector_load_idx %arg15[%add3A_316, %add3A_361] : memref<16x128xf32, #tpu.memory_space<vmem>>[vector<16xi32>, vector<16xi32>], vector<16xf32>,
    %select_n3A_364 = arith.select %eq3A_3, %gather3A_363, %gather3A_362 : vector<16xf32>
    tpu.vector_store_idx %arg11[%broadcast_in_dim3A_4, %add3A_361], %select_n3A_364 : memref<128x128xf32, #tpu.memory_space<vmem>>[vector<16xi32>, vector<16xi32>], vector<16xf32>,
    %mul3A_365 = arith.constant 8 : i32
    %mul3A_366 = arith.muli %mul3A_365, %shift_right_logical3A_2 : i32
    %add3A_367 = arith.constant 3 : i32
    %add3A_368 = arith.addi %mul3A_366, %add3A_367 : i32
    %mul3A_369 = arith.constant 512 : i32
    %mul3A_370 = arith.muli %add3A_368, %mul3A_369 : i32
    %mul3A_371 = arith.constant 128 : i32
    %mul3A_372 = arith.muli %and3A_1, %mul3A_371 : i32
    %add3A_373 = arith.addi %mul3A_370, %mul3A_372 : i32
    %dma_start3A_374 = arith.constant 0 : i32
    %dma_start3A_375 = tpu.memref_slice %arg5[%add3A_373, %dma_start3A_374] : memref<32768x128xf32, #tpu.memory_space<hbm>> -> memref<128x128xf32, #tpu.memory_space<hbm>>
    %dma_start3A_376 = arith.constant 0 : i32
    %dma_start3A_377 = tpu.memref_slice %arg5[%add3A_373, %dma_start3A_376] : memref<32768x128xf32, #tpu.memory_space<hbm>> -> memref<128x128xf32, #tpu.memory_space<hbm>>
    tpu.enqueue_dma source(%arg11 : memref<128x128xf32, #tpu.memory_space<vmem>>) target(%dma_start3A_377 : memref<128x128xf32, #tpu.memory_space<hbm>>) target_semaphore(%arg26 : memref<!tpu.dma_semaphore, #tpu.memory_space<semaphore_mem>>)
    %dma_wait3A_378 = arith.constant 1 : i32
    %dma_wait3A_379 = arith.constant 0 : i32
    %dma_wait3A_380 = arith.constant 0 : i32
    %dma_wait3A_381 = tpu.memref_slice %arg6[%dma_wait3A_378, %dma_wait3A_379, %dma_wait3A_380] : memref<2x4x128xi32, #tpu.memory_space<vmem>> -> memref<1x1x128xi32, #tpu.memory_space<vmem>>
    %dma_wait3A_382 = tpu.memref_squeeze %dma_wait3A_381 : memref<1x1x128xi32, #tpu.memory_space<vmem>> -> memref<128xi32, #tpu.memory_space<vmem>>
    %dma_wait3A_383 = arith.constant 0 : i32
    %dma_wait3A_384 = arith.constant 0 : i32
    %dma_wait3A_385 = tpu.memref_slice %arg3[%dma_wait3A_383, %dma_wait3A_384] : memref<100000x128xf32, #tpu.memory_space<hbm>> -> memref<100000x128xf32, #tpu.memory_space<hbm>>
    tpu.wait_indirect_dma semaphore(%arg20 : memref<!tpu.dma_semaphore, #tpu.memory_space<semaphore_mem>>) src(%dma_wait3A_385 : memref<100000x128xf32, #tpu.memory_space<hbm>>) dst(%arg12 : memref<128x128xf32, #tpu.memory_space<vmem>>)
    %add3A_386 = arith.constant 4 : i32
    %add3A_387 = vector.broadcast %add3A_386 : i32 to vector<16xi32>
    %add3A_388 = arith.addi %broadcast_in_dim3A_4, %add3A_387 : vector<16xi32>
    %add3A_389 = arith.constant 0 : i32
    %add3A_390 = vector.broadcast %add3A_389 : i32 to vector<16xi32>
    %add3A_391 = arith.addi %iota3A, %add3A_390 : vector<16xi32>
    %gather3A_392 = tpu.vector_load_idx %arg12[%broadcast_in_dim3A_4, %add3A_391] : memref<128x128xf32, #tpu.memory_space<vmem>>[vector<16xi32>, vector<16xi32>], vector<16xf32>,
    %gather3A_393 = tpu.vector_load_idx %arg15[%add3A_388, %add3A_391] : memref<16x128xf32, #tpu.memory_space<vmem>>[vector<16xi32>, vector<16xi32>], vector<16xf32>,
    %select_n3A_394 = arith.select %eq3A_3, %gather3A_393, %gather3A_392 : vector<16xf32>
    tpu.vector_store_idx %arg12[%broadcast_in_dim3A_4, %add3A_391], %select_n3A_394 : memref<128x128xf32, #tpu.memory_space<vmem>>[vector<16xi32>, vector<16xi32>], vector<16xf32>,
    %add3A_395 = arith.constant 16 : i32
    %add3A_396 = vector.broadcast %add3A_395 : i32 to vector<16xi32>
    %add3A_397 = arith.addi %iota3A, %add3A_396 : vector<16xi32>
    %gather3A_398 = tpu.vector_load_idx %arg12[%broadcast_in_dim3A_4, %add3A_397] : memref<128x128xf32, #tpu.memory_space<vmem>>[vector<16xi32>, vector<16xi32>], vector<16xf32>,
    %gather3A_399 = tpu.vector_load_idx %arg15[%add3A_388, %add3A_397] : memref<16x128xf32, #tpu.memory_space<vmem>>[vector<16xi32>, vector<16xi32>], vector<16xf32>,
    %select_n3A_400 = arith.select %eq3A_3, %gather3A_399, %gather3A_398 : vector<16xf32>
    tpu.vector_store_idx %arg12[%broadcast_in_dim3A_4, %add3A_397], %select_n3A_400 : memref<128x128xf32, #tpu.memory_space<vmem>>[vector<16xi32>, vector<16xi32>], vector<16xf32>,
    %add3A_401 = arith.constant 32 : i32
    %add3A_402 = vector.broadcast %add3A_401 : i32 to vector<16xi32>
    %add3A_403 = arith.addi %iota3A, %add3A_402 : vector<16xi32>
    %gather3A_404 = tpu.vector_load_idx %arg12[%broadcast_in_dim3A_4, %add3A_403] : memref<128x128xf32, #tpu.memory_space<vmem>>[vector<16xi32>, vector<16xi32>], vector<16xf32>,
    %gather3A_405 = tpu.vector_load_idx %arg15[%add3A_388, %add3A_403] : memref<16x128xf32, #tpu.memory_space<vmem>>[vector<16xi32>, vector<16xi32>], vector<16xf32>,
    %select_n3A_406 = arith.select %eq3A_3, %gather3A_405, %gather3A_404 : vector<16xf32>
    tpu.vector_store_idx %arg12[%broadcast_in_dim3A_4, %add3A_403], %select_n3A_406 : memref<128x128xf32, #tpu.memory_space<vmem>>[vector<16xi32>, vector<16xi32>], vector<16xf32>,
    %add3A_407 = arith.constant 48 : i32
    %add3A_408 = vector.broadcast %add3A_407 : i32 to vector<16xi32>
    %add3A_409 = arith.addi %iota3A, %add3A_408 : vector<16xi32>
    %gather3A_410 = tpu.vector_load_idx %arg12[%broadcast_in_dim3A_4, %add3A_409] : memref<128x128xf32, #tpu.memory_space<vmem>>[vector<16xi32>, vector<16xi32>], vector<16xf32>,
    %gather3A_411 = tpu.vector_load_idx %arg15[%add3A_388, %add3A_409] : memref<16x128xf32, #tpu.memory_space<vmem>>[vector<16xi32>, vector<16xi32>], vector<16xf32>,
    %select_n3A_412 = arith.select %eq3A_3, %gather3A_411, %gather3A_410 : vector<16xf32>
    tpu.vector_store_idx %arg12[%broadcast_in_dim3A_4, %add3A_409], %select_n3A_412 : memref<128x128xf32, #tpu.memory_space<vmem>>[vector<16xi32>, vector<16xi32>], vector<16xf32>,
    %add3A_413 = arith.constant 64 : i32
    %add3A_414 = vector.broadcast %add3A_413 : i32 to vector<16xi32>
    %add3A_415 = arith.addi %iota3A, %add3A_414 : vector<16xi32>
    %gather3A_416 = tpu.vector_load_idx %arg12[%broadcast_in_dim3A_4, %add3A_415] : memref<128x128xf32, #tpu.memory_space<vmem>>[vector<16xi32>, vector<16xi32>], vector<16xf32>,
    %gather3A_417 = tpu.vector_load_idx %arg15[%add3A_388, %add3A_415] : memref<16x128xf32, #tpu.memory_space<vmem>>[vector<16xi32>, vector<16xi32>], vector<16xf32>,
    %select_n3A_418 = arith.select %eq3A_3, %gather3A_417, %gather3A_416 : vector<16xf32>
    tpu.vector_store_idx %arg12[%broadcast_in_dim3A_4, %add3A_415], %select_n3A_418 : memref<128x128xf32, #tpu.memory_space<vmem>>[vector<16xi32>, vector<16xi32>], vector<16xf32>,
    %add3A_419 = arith.constant 80 : i32
    %add3A_420 = vector.broadcast %add3A_419 : i32 to vector<16xi32>
    %add3A_421 = arith.addi %iota3A, %add3A_420 : vector<16xi32>
    %gather3A_422 = tpu.vector_load_idx %arg12[%broadcast_in_dim3A_4, %add3A_421] : memref<128x128xf32, #tpu.memory_space<vmem>>[vector<16xi32>, vector<16xi32>], vector<16xf32>,
    %gather3A_423 = tpu.vector_load_idx %arg15[%add3A_388, %add3A_421] : memref<16x128xf32, #tpu.memory_space<vmem>>[vector<16xi32>, vector<16xi32>], vector<16xf32>,
    %select_n3A_424 = arith.select %eq3A_3, %gather3A_423, %gather3A_422 : vector<16xf32>
    tpu.vector_store_idx %arg12[%broadcast_in_dim3A_4, %add3A_421], %select_n3A_424 : memref<128x128xf32, #tpu.memory_space<vmem>>[vector<16xi32>, vector<16xi32>], vector<16xf32>,
    %add3A_425 = arith.constant 96 : i32
    %add3A_426 = vector.broadcast %add3A_425 : i32 to vector<16xi32>
    %add3A_427 = arith.addi %iota3A, %add3A_426 : vector<16xi32>
    %gather3A_428 = tpu.vector_load_idx %arg12[%broadcast_in_dim3A_4, %add3A_427] : memref<128x128xf32, #tpu.memory_space<vmem>>[vector<16xi32>, vector<16xi32>], vector<16xf32>,
    %gather3A_429 = tpu.vector_load_idx %arg15[%add3A_388, %add3A_427] : memref<16x128xf32, #tpu.memory_space<vmem>>[vector<16xi32>, vector<16xi32>], vector<16xf32>,
    %select_n3A_430 = arith.select %eq3A_3, %gather3A_429, %gather3A_428 : vector<16xf32>
    tpu.vector_store_idx %arg12[%broadcast_in_dim3A_4, %add3A_427], %select_n3A_430 : memref<128x128xf32, #tpu.memory_space<vmem>>[vector<16xi32>, vector<16xi32>], vector<16xf32>,
    %add3A_431 = arith.constant 112 : i32
    %add3A_432 = vector.broadcast %add3A_431 : i32 to vector<16xi32>
    %add3A_433 = arith.addi %iota3A, %add3A_432 : vector<16xi32>
    %gather3A_434 = tpu.vector_load_idx %arg12[%broadcast_in_dim3A_4, %add3A_433] : memref<128x128xf32, #tpu.memory_space<vmem>>[vector<16xi32>, vector<16xi32>], vector<16xf32>,
    %gather3A_435 = tpu.vector_load_idx %arg15[%add3A_388, %add3A_433] : memref<16x128xf32, #tpu.memory_space<vmem>>[vector<16xi32>, vector<16xi32>], vector<16xf32>,
    %select_n3A_436 = arith.select %eq3A_3, %gather3A_435, %gather3A_434 : vector<16xf32>
    tpu.vector_store_idx %arg12[%broadcast_in_dim3A_4, %add3A_433], %select_n3A_436 : memref<128x128xf32, #tpu.memory_space<vmem>>[vector<16xi32>, vector<16xi32>], vector<16xf32>,
    %mul3A_437 = arith.constant 8 : i32
    %mul3A_438 = arith.muli %mul3A_437, %shift_right_logical3A_2 : i32
    %add3A_439 = arith.constant 4 : i32
    %add3A_440 = arith.addi %mul3A_438, %add3A_439 : i32
    %mul3A_441 = arith.constant 512 : i32
    %mul3A_442 = arith.muli %add3A_440, %mul3A_441 : i32
    %mul3A_443 = arith.constant 128 : i32
    %mul3A_444 = arith.muli %and3A_1, %mul3A_443 : i32
    %add3A_445 = arith.addi %mul3A_442, %mul3A_444 : i32
    %dma_start3A_446 = arith.constant 0 : i32
    %dma_start3A_447 = tpu.memref_slice %arg5[%add3A_445, %dma_start3A_446] : memref<32768x128xf32, #tpu.memory_space<hbm>> -> memref<128x128xf32, #tpu.memory_space<hbm>>
    %dma_start3A_448 = arith.constant 0 : i32
    %dma_start3A_449 = tpu.memref_slice %arg5[%add3A_445, %dma_start3A_448] : memref<32768x128xf32, #tpu.memory_space<hbm>> -> memref<128x128xf32, #tpu.memory_space<hbm>>
    tpu.enqueue_dma source(%arg12 : memref<128x128xf32, #tpu.memory_space<vmem>>) target(%dma_start3A_449 : memref<128x128xf32, #tpu.memory_space<hbm>>) target_semaphore(%arg27 : memref<!tpu.dma_semaphore, #tpu.memory_space<semaphore_mem>>)
    %dma_wait3A_450 = arith.constant 1 : i32
    %dma_wait3A_451 = arith.constant 1 : i32
    %dma_wait3A_452 = arith.constant 0 : i32
    %dma_wait3A_453 = tpu.memref_slice %arg6[%dma_wait3A_450, %dma_wait3A_451, %dma_wait3A_452] : memref<2x4x128xi32, #tpu.memory_space<vmem>> -> memref<1x1x128xi32, #tpu.memory_space<vmem>>
    %dma_wait3A_454 = tpu.memref_squeeze %dma_wait3A_453 : memref<1x1x128xi32, #tpu.memory_space<vmem>> -> memref<128xi32, #tpu.memory_space<vmem>>
    %dma_wait3A_455 = arith.constant 0 : i32
    %dma_wait3A_456 = arith.constant 0 : i32
    %dma_wait3A_457 = tpu.memref_slice %arg3[%dma_wait3A_455, %dma_wait3A_456] : memref<100000x128xf32, #tpu.memory_space<hbm>> -> memref<100000x128xf32, #tpu.memory_space<hbm>>
    tpu.wait_indirect_dma semaphore(%arg21 : memref<!tpu.dma_semaphore, #tpu.memory_space<semaphore_mem>>) src(%dma_wait3A_457 : memref<100000x128xf32, #tpu.memory_space<hbm>>) dst(%arg13 : memref<128x128xf32, #tpu.memory_space<vmem>>)
    %add3A_458 = arith.constant 5 : i32
    %add3A_459 = vector.broadcast %add3A_458 : i32 to vector<16xi32>
    %add3A_460 = arith.addi %broadcast_in_dim3A_4, %add3A_459 : vector<16xi32>
    %add3A_461 = arith.constant 0 : i32
    %add3A_462 = vector.broadcast %add3A_461 : i32 to vector<16xi32>
    %add3A_463 = arith.addi %iota3A, %add3A_462 : vector<16xi32>
    %gather3A_464 = tpu.vector_load_idx %arg13[%broadcast_in_dim3A_4, %add3A_463] : memref<128x128xf32, #tpu.memory_space<vmem>>[vector<16xi32>, vector<16xi32>], vector<16xf32>,
    %gather3A_465 = tpu.vector_load_idx %arg15[%add3A_460, %add3A_463] : memref<16x128xf32, #tpu.memory_space<vmem>>[vector<16xi32>, vector<16xi32>], vector<16xf32>,
    %select_n3A_466 = arith.select %eq3A_3, %gather3A_465, %gather3A_464 : vector<16xf32>
    tpu.vector_store_idx %arg13[%broadcast_in_dim3A_4, %add3A_463], %select_n3A_466 : memref<128x128xf32, #tpu.memory_space<vmem>>[vector<16xi32>, vector<16xi32>], vector<16xf32>,
    %add3A_467 = arith.constant 16 : i32
    %add3A_468 = vector.broadcast %add3A_467 : i32 to vector<16xi32>
    %add3A_469 = arith.addi %iota3A, %add3A_468 : vector<16xi32>
    %gather3A_470 = tpu.vector_load_idx %arg13[%broadcast_in_dim3A_4, %add3A_469] : memref<128x128xf32, #tpu.memory_space<vmem>>[vector<16xi32>, vector<16xi32>], vector<16xf32>,
    %gather3A_471 = tpu.vector_load_idx %arg15[%add3A_460, %add3A_469] : memref<16x128xf32, #tpu.memory_space<vmem>>[vector<16xi32>, vector<16xi32>], vector<16xf32>,
    %select_n3A_472 = arith.select %eq3A_3, %gather3A_471, %gather3A_470 : vector<16xf32>
    tpu.vector_store_idx %arg13[%broadcast_in_dim3A_4, %add3A_469], %select_n3A_472 : memref<128x128xf32, #tpu.memory_space<vmem>>[vector<16xi32>, vector<16xi32>], vector<16xf32>,
    %add3A_473 = arith.constant 32 : i32
    %add3A_474 = vector.broadcast %add3A_473 : i32 to vector<16xi32>
    %add3A_475 = arith.addi %iota3A, %add3A_474 : vector<16xi32>
    %gather3A_476 = tpu.vector_load_idx %arg13[%broadcast_in_dim3A_4, %add3A_475] : memref<128x128xf32, #tpu.memory_space<vmem>>[vector<16xi32>, vector<16xi32>], vector<16xf32>,
    %gather3A_477 = tpu.vector_load_idx %arg15[%add3A_460, %add3A_475] : memref<16x128xf32, #tpu.memory_space<vmem>>[vector<16xi32>, vector<16xi32>], vector<16xf32>,
    %select_n3A_478 = arith.select %eq3A_3, %gather3A_477, %gather3A_476 : vector<16xf32>
    tpu.vector_store_idx %arg13[%broadcast_in_dim3A_4, %add3A_475], %select_n3A_478 : memref<128x128xf32, #tpu.memory_space<vmem>>[vector<16xi32>, vector<16xi32>], vector<16xf32>,
    %add3A_479 = arith.constant 48 : i32
    %add3A_480 = vector.broadcast %add3A_479 : i32 to vector<16xi32>
    %add3A_481 = arith.addi %iota3A, %add3A_480 : vector<16xi32>
    %gather3A_482 = tpu.vector_load_idx %arg13[%broadcast_in_dim3A_4, %add3A_481] : memref<128x128xf32, #tpu.memory_space<vmem>>[vector<16xi32>, vector<16xi32>], vector<16xf32>,
    %gather3A_483 = tpu.vector_load_idx %arg15[%add3A_460, %add3A_481] : memref<16x128xf32, #tpu.memory_space<vmem>>[vector<16xi32>, vector<16xi32>], vector<16xf32>,
    %select_n3A_484 = arith.select %eq3A_3, %gather3A_483, %gather3A_482 : vector<16xf32>
    tpu.vector_store_idx %arg13[%broadcast_in_dim3A_4, %add3A_481], %select_n3A_484 : memref<128x128xf32, #tpu.memory_space<vmem>>[vector<16xi32>, vector<16xi32>], vector<16xf32>,
    %add3A_485 = arith.constant 64 : i32
    %add3A_486 = vector.broadcast %add3A_485 : i32 to vector<16xi32>
    %add3A_487 = arith.addi %iota3A, %add3A_486 : vector<16xi32>
    %gather3A_488 = tpu.vector_load_idx %arg13[%broadcast_in_dim3A_4, %add3A_487] : memref<128x128xf32, #tpu.memory_space<vmem>>[vector<16xi32>, vector<16xi32>], vector<16xf32>,
    %gather3A_489 = tpu.vector_load_idx %arg15[%add3A_460, %add3A_487] : memref<16x128xf32, #tpu.memory_space<vmem>>[vector<16xi32>, vector<16xi32>], vector<16xf32>,
    %select_n3A_490 = arith.select %eq3A_3, %gather3A_489, %gather3A_488 : vector<16xf32>
    tpu.vector_store_idx %arg13[%broadcast_in_dim3A_4, %add3A_487], %select_n3A_490 : memref<128x128xf32, #tpu.memory_space<vmem>>[vector<16xi32>, vector<16xi32>], vector<16xf32>,
    %add3A_491 = arith.constant 80 : i32
    %add3A_492 = vector.broadcast %add3A_491 : i32 to vector<16xi32>
    %add3A_493 = arith.addi %iota3A, %add3A_492 : vector<16xi32>
    %gather3A_494 = tpu.vector_load_idx %arg13[%broadcast_in_dim3A_4, %add3A_493] : memref<128x128xf32, #tpu.memory_space<vmem>>[vector<16xi32>, vector<16xi32>], vector<16xf32>,
    %gather3A_495 = tpu.vector_load_idx %arg15[%add3A_460, %add3A_493] : memref<16x128xf32, #tpu.memory_space<vmem>>[vector<16xi32>, vector<16xi32>], vector<16xf32>,
    %select_n3A_496 = arith.select %eq3A_3, %gather3A_495, %gather3A_494 : vector<16xf32>
    tpu.vector_store_idx %arg13[%broadcast_in_dim3A_4, %add3A_493], %select_n3A_496 : memref<128x128xf32, #tpu.memory_space<vmem>>[vector<16xi32>, vector<16xi32>], vector<16xf32>,
    %add3A_497 = arith.constant 96 : i32
    %add3A_498 = vector.broadcast %add3A_497 : i32 to vector<16xi32>
    %add3A_499 = arith.addi %iota3A, %add3A_498 : vector<16xi32>
    %gather3A_500 = tpu.vector_load_idx %arg13[%broadcast_in_dim3A_4, %add3A_499] : memref<128x128xf32, #tpu.memory_space<vmem>>[vector<16xi32>, vector<16xi32>], vector<16xf32>,
    %gather3A_501 = tpu.vector_load_idx %arg15[%add3A_460, %add3A_499] : memref<16x128xf32, #tpu.memory_space<vmem>>[vector<16xi32>, vector<16xi32>], vector<16xf32>,
    %select_n3A_502 = arith.select %eq3A_3, %gather3A_501, %gather3A_500 : vector<16xf32>
    tpu.vector_store_idx %arg13[%broadcast_in_dim3A_4, %add3A_499], %select_n3A_502 : memref<128x128xf32, #tpu.memory_space<vmem>>[vector<16xi32>, vector<16xi32>], vector<16xf32>,
    %add3A_503 = arith.constant 112 : i32
    %add3A_504 = vector.broadcast %add3A_503 : i32 to vector<16xi32>
    %add3A_505 = arith.addi %iota3A, %add3A_504 : vector<16xi32>
    %gather3A_506 = tpu.vector_load_idx %arg13[%broadcast_in_dim3A_4, %add3A_505] : memref<128x128xf32, #tpu.memory_space<vmem>>[vector<16xi32>, vector<16xi32>], vector<16xf32>,
    %gather3A_507 = tpu.vector_load_idx %arg15[%add3A_460, %add3A_505] : memref<16x128xf32, #tpu.memory_space<vmem>>[vector<16xi32>, vector<16xi32>], vector<16xf32>,
    %select_n3A_508 = arith.select %eq3A_3, %gather3A_507, %gather3A_506 : vector<16xf32>
    tpu.vector_store_idx %arg13[%broadcast_in_dim3A_4, %add3A_505], %select_n3A_508 : memref<128x128xf32, #tpu.memory_space<vmem>>[vector<16xi32>, vector<16xi32>], vector<16xf32>,
    %mul3A_509 = arith.constant 8 : i32
    %mul3A_510 = arith.muli %mul3A_509, %shift_right_logical3A_2 : i32
    %add3A_511 = arith.constant 5 : i32
    %add3A_512 = arith.addi %mul3A_510, %add3A_511 : i32
    %mul3A_513 = arith.constant 512 : i32
    %mul3A_514 = arith.muli %add3A_512, %mul3A_513 : i32
    %mul3A_515 = arith.constant 128 : i32
    %mul3A_516 = arith.muli %and3A_1, %mul3A_515 : i32
    %add3A_517 = arith.addi %mul3A_514, %mul3A_516 : i32
    %dma_start3A_518 = arith.constant 0 : i32
    %dma_start3A_519 = tpu.memref_slice %arg5[%add3A_517, %dma_start3A_518] : memref<32768x128xf32, #tpu.memory_space<hbm>> -> memref<128x128xf32, #tpu.memory_space<hbm>>
    %dma_start3A_520 = arith.constant 0 : i32
    %dma_start3A_521 = tpu.memref_slice %arg5[%add3A_517, %dma_start3A_520] : memref<32768x128xf32, #tpu.memory_space<hbm>> -> memref<128x128xf32, #tpu.memory_space<hbm>>
    tpu.enqueue_dma source(%arg13 : memref<128x128xf32, #tpu.memory_space<vmem>>) target(%dma_start3A_521 : memref<128x128xf32, #tpu.memory_space<hbm>>) target_semaphore(%arg28 : memref<!tpu.dma_semaphore, #tpu.memory_space<semaphore_mem>>)
    %dma_wait3A_522 = arith.constant 1 : i32
    %dma_wait3A_523 = arith.constant 2 : i32
    %dma_wait3A_524 = arith.constant 0 : i32
    %dma_wait3A_525 = tpu.memref_slice %arg6[%dma_wait3A_522, %dma_wait3A_523, %dma_wait3A_524] : memref<2x4x128xi32, #tpu.memory_space<vmem>> -> memref<1x1x128xi32, #tpu.memory_space<vmem>>
    %dma_wait3A_526 = tpu.memref_squeeze %dma_wait3A_525 : memref<1x1x128xi32, #tpu.memory_space<vmem>> -> memref<128xi32, #tpu.memory_space<vmem>>
    %dma_wait3A_527 = arith.constant 0 : i32
    %dma_wait3A_528 = arith.constant 0 : i32
    %dma_wait3A_529 = tpu.memref_slice %arg3[%dma_wait3A_527, %dma_wait3A_528] : memref<100000x128xf32, #tpu.memory_space<hbm>> -> memref<100000x128xf32, #tpu.memory_space<hbm>>
    tpu.wait_indirect_dma semaphore(%arg22 : memref<!tpu.dma_semaphore, #tpu.memory_space<semaphore_mem>>) src(%dma_wait3A_529 : memref<100000x128xf32, #tpu.memory_space<hbm>>) dst(%arg14 : memref<128x128xf32, #tpu.memory_space<vmem>>)
    %add3A_530 = arith.constant 6 : i32
    %add3A_531 = vector.broadcast %add3A_530 : i32 to vector<16xi32>
    %add3A_532 = arith.addi %broadcast_in_dim3A_4, %add3A_531 : vector<16xi32>
    %add3A_533 = arith.constant 0 : i32
    %add3A_534 = vector.broadcast %add3A_533 : i32 to vector<16xi32>
    %add3A_535 = arith.addi %iota3A, %add3A_534 : vector<16xi32>
    %gather3A_536 = tpu.vector_load_idx %arg14[%broadcast_in_dim3A_4, %add3A_535] : memref<128x128xf32, #tpu.memory_space<vmem>>[vector<16xi32>, vector<16xi32>], vector<16xf32>,
    %gather3A_537 = tpu.vector_load_idx %arg15[%add3A_532, %add3A_535] : memref<16x128xf32, #tpu.memory_space<vmem>>[vector<16xi32>, vector<16xi32>], vector<16xf32>,
    %select_n3A_538 = arith.select %eq3A_3, %gather3A_537, %gather3A_536 : vector<16xf32>
    tpu.vector_store_idx %arg14[%broadcast_in_dim3A_4, %add3A_535], %select_n3A_538 : memref<128x128xf32, #tpu.memory_space<vmem>>[vector<16xi32>, vector<16xi32>], vector<16xf32>,
    %add3A_539 = arith.constant 16 : i32
    %add3A_540 = vector.broadcast %add3A_539 : i32 to vector<16xi32>
    %add3A_541 = arith.addi %iota3A, %add3A_540 : vector<16xi32>
    %gather3A_542 = tpu.vector_load_idx %arg14[%broadcast_in_dim3A_4, %add3A_541] : memref<128x128xf32, #tpu.memory_space<vmem>>[vector<16xi32>, vector<16xi32>], vector<16xf32>,
    %gather3A_543 = tpu.vector_load_idx %arg15[%add3A_532, %add3A_541] : memref<16x128xf32, #tpu.memory_space<vmem>>[vector<16xi32>, vector<16xi32>], vector<16xf32>,
    %select_n3A_544 = arith.select %eq3A_3, %gather3A_543, %gather3A_542 : vector<16xf32>
    tpu.vector_store_idx %arg14[%broadcast_in_dim3A_4, %add3A_541], %select_n3A_544 : memref<128x128xf32, #tpu.memory_space<vmem>>[vector<16xi32>, vector<16xi32>], vector<16xf32>,
    %add3A_545 = arith.constant 32 : i32
    %add3A_546 = vector.broadcast %add3A_545 : i32 to vector<16xi32>
    %add3A_547 = arith.addi %iota3A, %add3A_546 : vector<16xi32>
    %gather3A_548 = tpu.vector_load_idx %arg14[%broadcast_in_dim3A_4, %add3A_547] : memref<128x128xf32, #tpu.memory_space<vmem>>[vector<16xi32>, vector<16xi32>], vector<16xf32>,
    %gather3A_549 = tpu.vector_load_idx %arg15[%add3A_532, %add3A_547] : memref<16x128xf32, #tpu.memory_space<vmem>>[vector<16xi32>, vector<16xi32>], vector<16xf32>,
    %select_n3A_550 = arith.select %eq3A_3, %gather3A_549, %gather3A_548 : vector<16xf32>
    tpu.vector_store_idx %arg14[%broadcast_in_dim3A_4, %add3A_547], %select_n3A_550 : memref<128x128xf32, #tpu.memory_space<vmem>>[vector<16xi32>, vector<16xi32>], vector<16xf32>,
    %add3A_551 = arith.constant 48 : i32
    %add3A_552 = vector.broadcast %add3A_551 : i32 to vector<16xi32>
    %add3A_553 = arith.addi %iota3A, %add3A_552 : vector<16xi32>
    %gather3A_554 = tpu.vector_load_idx %arg14[%broadcast_in_dim3A_4, %add3A_553] : memref<128x128xf32, #tpu.memory_space<vmem>>[vector<16xi32>, vector<16xi32>], vector<16xf32>,
    %gather3A_555 = tpu.vector_load_idx %arg15[%add3A_532, %add3A_553] : memref<16x128xf32, #tpu.memory_space<vmem>>[vector<16xi32>, vector<16xi32>], vector<16xf32>,
    %select_n3A_556 = arith.select %eq3A_3, %gather3A_555, %gather3A_554 : vector<16xf32>
    tpu.vector_store_idx %arg14[%broadcast_in_dim3A_4, %add3A_553], %select_n3A_556 : memref<128x128xf32, #tpu.memory_space<vmem>>[vector<16xi32>, vector<16xi32>], vector<16xf32>,
    %add3A_557 = arith.constant 64 : i32
    %add3A_558 = vector.broadcast %add3A_557 : i32 to vector<16xi32>
    %add3A_559 = arith.addi %iota3A, %add3A_558 : vector<16xi32>
    %gather3A_560 = tpu.vector_load_idx %arg14[%broadcast_in_dim3A_4, %add3A_559] : memref<128x128xf32, #tpu.memory_space<vmem>>[vector<16xi32>, vector<16xi32>], vector<16xf32>,
    %gather3A_561 = tpu.vector_load_idx %arg15[%add3A_532, %add3A_559] : memref<16x128xf32, #tpu.memory_space<vmem>>[vector<16xi32>, vector<16xi32>], vector<16xf32>,
    %select_n3A_562 = arith.select %eq3A_3, %gather3A_561, %gather3A_560 : vector<16xf32>
    tpu.vector_store_idx %arg14[%broadcast_in_dim3A_4, %add3A_559], %select_n3A_562 : memref<128x128xf32, #tpu.memory_space<vmem>>[vector<16xi32>, vector<16xi32>], vector<16xf32>,
    %add3A_563 = arith.constant 80 : i32
    %add3A_564 = vector.broadcast %add3A_563 : i32 to vector<16xi32>
    %add3A_565 = arith.addi %iota3A, %add3A_564 : vector<16xi32>
    %gather3A_566 = tpu.vector_load_idx %arg14[%broadcast_in_dim3A_4, %add3A_565] : memref<128x128xf32, #tpu.memory_space<vmem>>[vector<16xi32>, vector<16xi32>], vector<16xf32>,
    %gather3A_567 = tpu.vector_load_idx %arg15[%add3A_532, %add3A_565] : memref<16x128xf32, #tpu.memory_space<vmem>>[vector<16xi32>, vector<16xi32>], vector<16xf32>,
    %select_n3A_568 = arith.select %eq3A_3, %gather3A_567, %gather3A_566 : vector<16xf32>
    tpu.vector_store_idx %arg14[%broadcast_in_dim3A_4, %add3A_565], %select_n3A_568 : memref<128x128xf32, #tpu.memory_space<vmem>>[vector<16xi32>, vector<16xi32>], vector<16xf32>,
    %add3A_569 = arith.constant 96 : i32
    %add3A_570 = vector.broadcast %add3A_569 : i32 to vector<16xi32>
    %add3A_571 = arith.addi %iota3A, %add3A_570 : vector<16xi32>
    %gather3A_572 = tpu.vector_load_idx %arg14[%broadcast_in_dim3A_4, %add3A_571] : memref<128x128xf32, #tpu.memory_space<vmem>>[vector<16xi32>, vector<16xi32>], vector<16xf32>,
    %gather3A_573 = tpu.vector_load_idx %arg15[%add3A_532, %add3A_571] : memref<16x128xf32, #tpu.memory_space<vmem>>[vector<16xi32>, vector<16xi32>], vector<16xf32>,
    %select_n3A_574 = arith.select %eq3A_3, %gather3A_573, %gather3A_572 : vector<16xf32>
    tpu.vector_store_idx %arg14[%broadcast_in_dim3A_4, %add3A_571], %select_n3A_574 : memref<128x128xf32, #tpu.memory_space<vmem>>[vector<16xi32>, vector<16xi32>], vector<16xf32>,
    %add3A_575 = arith.constant 112 : i32
    %add3A_576 = vector.broadcast %add3A_575 : i32 to vector<16xi32>
    %add3A_577 = arith.addi %iota3A, %add3A_576 : vector<16xi32>
    %gather3A_578 = tpu.vector_load_idx %arg14[%broadcast_in_dim3A_4, %add3A_577] : memref<128x128xf32, #tpu.memory_space<vmem>>[vector<16xi32>, vector<16xi32>], vector<16xf32>,
    %gather3A_579 = tpu.vector_load_idx %arg15[%add3A_532, %add3A_577] : memref<16x128xf32, #tpu.memory_space<vmem>>[vector<16xi32>, vector<16xi32>], vector<16xf32>,
    %select_n3A_580 = arith.select %eq3A_3, %gather3A_579, %gather3A_578 : vector<16xf32>
    tpu.vector_store_idx %arg14[%broadcast_in_dim3A_4, %add3A_577], %select_n3A_580 : memref<128x128xf32, #tpu.memory_space<vmem>>[vector<16xi32>, vector<16xi32>], vector<16xf32>,
    %mul3A_581 = arith.constant 8 : i32
    %mul3A_582 = arith.muli %mul3A_581, %shift_right_logical3A_2 : i32
    %add3A_583 = arith.constant 6 : i32
    %add3A_584 = arith.addi %mul3A_582, %add3A_583 : i32
    %mul3A_585 = arith.constant 512 : i32
    %mul3A_586 = arith.muli %add3A_584, %mul3A_585 : i32
    %mul3A_587 = arith.constant 128 : i32
    %mul3A_588 = arith.muli %and3A_1, %mul3A_587 : i32
    %add3A_589 = arith.addi %mul3A_586, %mul3A_588 : i32
    %dma_start3A_590 = arith.constant 0 : i32
    %dma_start3A_591 = tpu.memref_slice %arg5[%add3A_589, %dma_start3A_590] : memref<32768x128xf32, #tpu.memory_space<hbm>> -> memref<128x128xf32, #tpu.memory_space<hbm>>
    %dma_start3A_592 = arith.constant 0 : i32
    %dma_start3A_593 = tpu.memref_slice %arg5[%add3A_589, %dma_start3A_592] : memref<32768x128xf32, #tpu.memory_space<hbm>> -> memref<128x128xf32, #tpu.memory_space<hbm>>
    tpu.enqueue_dma source(%arg14 : memref<128x128xf32, #tpu.memory_space<vmem>>) target(%dma_start3A_593 : memref<128x128xf32, #tpu.memory_space<hbm>>) target_semaphore(%arg29 : memref<!tpu.dma_semaphore, #tpu.memory_space<semaphore_mem>>)
    %dma_wait3A_594 = arith.constant 1 : i32
    %dma_wait3A_595 = arith.constant 3 : i32
    %dma_wait3A_596 = arith.constant 0 : i32
    %dma_wait3A_597 = tpu.memref_slice %arg6[%dma_wait3A_594, %dma_wait3A_595, %dma_wait3A_596] : memref<2x4x128xi32, #tpu.memory_space<vmem>> -> memref<1x1x128xi32, #tpu.memory_space<vmem>>
    %dma_wait3A_598 = tpu.memref_squeeze %dma_wait3A_597 : memref<1x1x128xi32, #tpu.memory_space<vmem>> -> memref<128xi32, #tpu.memory_space<vmem>>
    %dma_wait3A_599 = arith.constant 0 : i32
    %dma_wait3A_600 = arith.constant 0 : i32
    %dma_wait3A_601 = tpu.memref_slice %arg3[%dma_wait3A_599, %dma_wait3A_600] : memref<100000x128xf32, #tpu.memory_space<hbm>> -> memref<100000x128xf32, #tpu.memory_space<hbm>>
    tpu.wait_indirect_dma semaphore(%arg16 : memref<!tpu.dma_semaphore, #tpu.memory_space<semaphore_mem>>) src(%dma_wait3A_601 : memref<100000x128xf32, #tpu.memory_space<hbm>>) dst(%arg8 : memref<128x128xf32, #tpu.memory_space<vmem>>)
    %add3A_602 = arith.constant 7 : i32
    %add3A_603 = vector.broadcast %add3A_602 : i32 to vector<16xi32>
    %add3A_604 = arith.addi %broadcast_in_dim3A_4, %add3A_603 : vector<16xi32>
    %add3A_605 = arith.constant 0 : i32
    %add3A_606 = vector.broadcast %add3A_605 : i32 to vector<16xi32>
    %add3A_607 = arith.addi %iota3A, %add3A_606 : vector<16xi32>
    %gather3A_608 = tpu.vector_load_idx %arg8[%broadcast_in_dim3A_4, %add3A_607] : memref<128x128xf32, #tpu.memory_space<vmem>>[vector<16xi32>, vector<16xi32>], vector<16xf32>,
    %gather3A_609 = tpu.vector_load_idx %arg15[%add3A_604, %add3A_607] : memref<16x128xf32, #tpu.memory_space<vmem>>[vector<16xi32>, vector<16xi32>], vector<16xf32>,
    %select_n3A_610 = arith.select %eq3A_3, %gather3A_609, %gather3A_608 : vector<16xf32>
    tpu.vector_store_idx %arg8[%broadcast_in_dim3A_4, %add3A_607], %select_n3A_610 : memref<128x128xf32, #tpu.memory_space<vmem>>[vector<16xi32>, vector<16xi32>], vector<16xf32>,
    %add3A_611 = arith.constant 16 : i32
    %add3A_612 = vector.broadcast %add3A_611 : i32 to vector<16xi32>
    %add3A_613 = arith.addi %iota3A, %add3A_612 : vector<16xi32>
    %gather3A_614 = tpu.vector_load_idx %arg8[%broadcast_in_dim3A_4, %add3A_613] : memref<128x128xf32, #tpu.memory_space<vmem>>[vector<16xi32>, vector<16xi32>], vector<16xf32>,
    %gather3A_615 = tpu.vector_load_idx %arg15[%add3A_604, %add3A_613] : memref<16x128xf32, #tpu.memory_space<vmem>>[vector<16xi32>, vector<16xi32>], vector<16xf32>,
    %select_n3A_616 = arith.select %eq3A_3, %gather3A_615, %gather3A_614 : vector<16xf32>
    tpu.vector_store_idx %arg8[%broadcast_in_dim3A_4, %add3A_613], %select_n3A_616 : memref<128x128xf32, #tpu.memory_space<vmem>>[vector<16xi32>, vector<16xi32>], vector<16xf32>,
    %add3A_617 = arith.constant 32 : i32
    %add3A_618 = vector.broadcast %add3A_617 : i32 to vector<16xi32>
    %add3A_619 = arith.addi %iota3A, %add3A_618 : vector<16xi32>
    %gather3A_620 = tpu.vector_load_idx %arg8[%broadcast_in_dim3A_4, %add3A_619] : memref<128x128xf32, #tpu.memory_space<vmem>>[vector<16xi32>, vector<16xi32>], vector<16xf32>,
    %gather3A_621 = tpu.vector_load_idx %arg15[%add3A_604, %add3A_619] : memref<16x128xf32, #tpu.memory_space<vmem>>[vector<16xi32>, vector<16xi32>], vector<16xf32>,
    %select_n3A_622 = arith.select %eq3A_3, %gather3A_621, %gather3A_620 : vector<16xf32>
    tpu.vector_store_idx %arg8[%broadcast_in_dim3A_4, %add3A_619], %select_n3A_622 : memref<128x128xf32, #tpu.memory_space<vmem>>[vector<16xi32>, vector<16xi32>], vector<16xf32>,
    %add3A_623 = arith.constant 48 : i32
    %add3A_624 = vector.broadcast %add3A_623 : i32 to vector<16xi32>
    %add3A_625 = arith.addi %iota3A, %add3A_624 : vector<16xi32>
    %gather3A_626 = tpu.vector_load_idx %arg8[%broadcast_in_dim3A_4, %add3A_625] : memref<128x128xf32, #tpu.memory_space<vmem>>[vector<16xi32>, vector<16xi32>], vector<16xf32>,
    %gather3A_627 = tpu.vector_load_idx %arg15[%add3A_604, %add3A_625] : memref<16x128xf32, #tpu.memory_space<vmem>>[vector<16xi32>, vector<16xi32>], vector<16xf32>,
    %select_n3A_628 = arith.select %eq3A_3, %gather3A_627, %gather3A_626 : vector<16xf32>
    tpu.vector_store_idx %arg8[%broadcast_in_dim3A_4, %add3A_625], %select_n3A_628 : memref<128x128xf32, #tpu.memory_space<vmem>>[vector<16xi32>, vector<16xi32>], vector<16xf32>,
    %add3A_629 = arith.constant 64 : i32
    %add3A_630 = vector.broadcast %add3A_629 : i32 to vector<16xi32>
    %add3A_631 = arith.addi %iota3A, %add3A_630 : vector<16xi32>
    %gather3A_632 = tpu.vector_load_idx %arg8[%broadcast_in_dim3A_4, %add3A_631] : memref<128x128xf32, #tpu.memory_space<vmem>>[vector<16xi32>, vector<16xi32>], vector<16xf32>,
    %gather3A_633 = tpu.vector_load_idx %arg15[%add3A_604, %add3A_631] : memref<16x128xf32, #tpu.memory_space<vmem>>[vector<16xi32>, vector<16xi32>], vector<16xf32>,
    %select_n3A_634 = arith.select %eq3A_3, %gather3A_633, %gather3A_632 : vector<16xf32>
    tpu.vector_store_idx %arg8[%broadcast_in_dim3A_4, %add3A_631], %select_n3A_634 : memref<128x128xf32, #tpu.memory_space<vmem>>[vector<16xi32>, vector<16xi32>], vector<16xf32>,
    %add3A_635 = arith.constant 80 : i32
    %add3A_636 = vector.broadcast %add3A_635 : i32 to vector<16xi32>
    %add3A_637 = arith.addi %iota3A, %add3A_636 : vector<16xi32>
    %gather3A_638 = tpu.vector_load_idx %arg8[%broadcast_in_dim3A_4, %add3A_637] : memref<128x128xf32, #tpu.memory_space<vmem>>[vector<16xi32>, vector<16xi32>], vector<16xf32>,
    %gather3A_639 = tpu.vector_load_idx %arg15[%add3A_604, %add3A_637] : memref<16x128xf32, #tpu.memory_space<vmem>>[vector<16xi32>, vector<16xi32>], vector<16xf32>,
    %select_n3A_640 = arith.select %eq3A_3, %gather3A_639, %gather3A_638 : vector<16xf32>
    tpu.vector_store_idx %arg8[%broadcast_in_dim3A_4, %add3A_637], %select_n3A_640 : memref<128x128xf32, #tpu.memory_space<vmem>>[vector<16xi32>, vector<16xi32>], vector<16xf32>,
    %add3A_641 = arith.constant 96 : i32
    %add3A_642 = vector.broadcast %add3A_641 : i32 to vector<16xi32>
    %add3A_643 = arith.addi %iota3A, %add3A_642 : vector<16xi32>
    %gather3A_644 = tpu.vector_load_idx %arg8[%broadcast_in_dim3A_4, %add3A_643] : memref<128x128xf32, #tpu.memory_space<vmem>>[vector<16xi32>, vector<16xi32>], vector<16xf32>,
    %gather3A_645 = tpu.vector_load_idx %arg15[%add3A_604, %add3A_643] : memref<16x128xf32, #tpu.memory_space<vmem>>[vector<16xi32>, vector<16xi32>], vector<16xf32>,
    %select_n3A_646 = arith.select %eq3A_3, %gather3A_645, %gather3A_644 : vector<16xf32>
    tpu.vector_store_idx %arg8[%broadcast_in_dim3A_4, %add3A_643], %select_n3A_646 : memref<128x128xf32, #tpu.memory_space<vmem>>[vector<16xi32>, vector<16xi32>], vector<16xf32>,
    %add3A_647 = arith.constant 112 : i32
    %add3A_648 = vector.broadcast %add3A_647 : i32 to vector<16xi32>
    %add3A_649 = arith.addi %iota3A, %add3A_648 : vector<16xi32>
    %gather3A_650 = tpu.vector_load_idx %arg8[%broadcast_in_dim3A_4, %add3A_649] : memref<128x128xf32, #tpu.memory_space<vmem>>[vector<16xi32>, vector<16xi32>], vector<16xf32>,
    %gather3A_651 = tpu.vector_load_idx %arg15[%add3A_604, %add3A_649] : memref<16x128xf32, #tpu.memory_space<vmem>>[vector<16xi32>, vector<16xi32>], vector<16xf32>,
    %select_n3A_652 = arith.select %eq3A_3, %gather3A_651, %gather3A_650 : vector<16xf32>
    tpu.vector_store_idx %arg8[%broadcast_in_dim3A_4, %add3A_649], %select_n3A_652 : memref<128x128xf32, #tpu.memory_space<vmem>>[vector<16xi32>, vector<16xi32>], vector<16xf32>,
    %mul3A_653 = arith.constant 8 : i32
    %mul3A_654 = arith.muli %mul3A_653, %shift_right_logical3A_2 : i32
    %add3A_655 = arith.constant 7 : i32
    %add3A_656 = arith.addi %mul3A_654, %add3A_655 : i32
    %mul3A_657 = arith.constant 512 : i32
    %mul3A_658 = arith.muli %add3A_656, %mul3A_657 : i32
    %mul3A_659 = arith.constant 128 : i32
    %mul3A_660 = arith.muli %and3A_1, %mul3A_659 : i32
    %add3A_661 = arith.addi %mul3A_658, %mul3A_660 : i32
    %dma_start3A_662 = arith.constant 0 : i32
    %dma_start3A_663 = tpu.memref_slice %arg5[%add3A_661, %dma_start3A_662] : memref<32768x128xf32, #tpu.memory_space<hbm>> -> memref<128x128xf32, #tpu.memory_space<hbm>>
    %dma_start3A_664 = arith.constant 0 : i32
    %dma_start3A_665 = tpu.memref_slice %arg5[%add3A_661, %dma_start3A_664] : memref<32768x128xf32, #tpu.memory_space<hbm>> -> memref<128x128xf32, #tpu.memory_space<hbm>>
    tpu.enqueue_dma source(%arg8 : memref<128x128xf32, #tpu.memory_space<vmem>>) target(%dma_start3A_665 : memref<128x128xf32, #tpu.memory_space<hbm>>) target_semaphore(%arg23 : memref<!tpu.dma_semaphore, #tpu.memory_space<semaphore_mem>>)
    %dma_wait3A_666 = arith.constant 0 : i32
    %dma_wait3A_667 = tpu.memref_slice %arg5[%add3A_661, %dma_wait3A_666] : memref<32768x128xf32, #tpu.memory_space<hbm>> -> memref<128x128xf32, #tpu.memory_space<hbm>>
    %dma_wait3A_668 = arith.constant 0 : i32
    %dma_wait3A_669 = tpu.memref_slice %arg5[%add3A_661, %dma_wait3A_668] : memref<32768x128xf32, #tpu.memory_space<hbm>> -> memref<128x128xf32, #tpu.memory_space<hbm>>
    tpu.wait_dma2 semaphore(%arg23 : memref<!tpu.dma_semaphore, #tpu.memory_space<semaphore_mem>>) src(%arg8 : memref<128x128xf32, #tpu.memory_space<vmem>>) dst(%dma_wait3A_669 : memref<128x128xf32, #tpu.memory_space<hbm>>)
    %dma_wait3A_670 = arith.constant 0 : i32
    %dma_wait3A_671 = tpu.memref_slice %arg5[%add3A_229, %dma_wait3A_670] : memref<32768x128xf32, #tpu.memory_space<hbm>> -> memref<128x128xf32, #tpu.memory_space<hbm>>
    %dma_wait3A_672 = arith.constant 0 : i32
    %dma_wait3A_673 = tpu.memref_slice %arg5[%add3A_229, %dma_wait3A_672] : memref<32768x128xf32, #tpu.memory_space<hbm>> -> memref<128x128xf32, #tpu.memory_space<hbm>>
    tpu.wait_dma2 semaphore(%arg24 : memref<!tpu.dma_semaphore, #tpu.memory_space<semaphore_mem>>) src(%arg9 : memref<128x128xf32, #tpu.memory_space<vmem>>) dst(%dma_wait3A_673 : memref<128x128xf32, #tpu.memory_space<hbm>>)
    %dma_wait3A_674 = arith.constant 0 : i32
    %dma_wait3A_675 = tpu.memref_slice %arg5[%add3A_301, %dma_wait3A_674] : memref<32768x128xf32, #tpu.memory_space<hbm>> -> memref<128x128xf32, #tpu.memory_space<hbm>>
    %dma_wait3A_676 = arith.constant 0 : i32
    %dma_wait3A_677 = tpu.memref_slice %arg5[%add3A_301, %dma_wait3A_676] : memref<32768x128xf32, #tpu.memory_space<hbm>> -> memref<128x128xf32, #tpu.memory_space<hbm>>
    tpu.wait_dma2 semaphore(%arg25 : memref<!tpu.dma_semaphore, #tpu.memory_space<semaphore_mem>>) src(%arg10 : memref<128x128xf32, #tpu.memory_space<vmem>>) dst(%dma_wait3A_677 : memref<128x128xf32, #tpu.memory_space<hbm>>)
    %dma_wait3A_678 = arith.constant 0 : i32
    %dma_wait3A_679 = tpu.memref_slice %arg5[%add3A_373, %dma_wait3A_678] : memref<32768x128xf32, #tpu.memory_space<hbm>> -> memref<128x128xf32, #tpu.memory_space<hbm>>
    %dma_wait3A_680 = arith.constant 0 : i32
    %dma_wait3A_681 = tpu.memref_slice %arg5[%add3A_373, %dma_wait3A_680] : memref<32768x128xf32, #tpu.memory_space<hbm>> -> memref<128x128xf32, #tpu.memory_space<hbm>>
    tpu.wait_dma2 semaphore(%arg26 : memref<!tpu.dma_semaphore, #tpu.memory_space<semaphore_mem>>) src(%arg11 : memref<128x128xf32, #tpu.memory_space<vmem>>) dst(%dma_wait3A_681 : memref<128x128xf32, #tpu.memory_space<hbm>>)
    %dma_wait3A_682 = arith.constant 0 : i32
    %dma_wait3A_683 = tpu.memref_slice %arg5[%add3A_445, %dma_wait3A_682] : memref<32768x128xf32, #tpu.memory_space<hbm>> -> memref<128x128xf32, #tpu.memory_space<hbm>>
    %dma_wait3A_684 = arith.constant 0 : i32
    %dma_wait3A_685 = tpu.memref_slice %arg5[%add3A_445, %dma_wait3A_684] : memref<32768x128xf32, #tpu.memory_space<hbm>> -> memref<128x128xf32, #tpu.memory_space<hbm>>
    tpu.wait_dma2 semaphore(%arg27 : memref<!tpu.dma_semaphore, #tpu.memory_space<semaphore_mem>>) src(%arg12 : memref<128x128xf32, #tpu.memory_space<vmem>>) dst(%dma_wait3A_685 : memref<128x128xf32, #tpu.memory_space<hbm>>)
    %dma_wait3A_686 = arith.constant 0 : i32
    %dma_wait3A_687 = tpu.memref_slice %arg5[%add3A_517, %dma_wait3A_686] : memref<32768x128xf32, #tpu.memory_space<hbm>> -> memref<128x128xf32, #tpu.memory_space<hbm>>
    %dma_wait3A_688 = arith.constant 0 : i32
    %dma_wait3A_689 = tpu.memref_slice %arg5[%add3A_517, %dma_wait3A_688] : memref<32768x128xf32, #tpu.memory_space<hbm>> -> memref<128x128xf32, #tpu.memory_space<hbm>>
    tpu.wait_dma2 semaphore(%arg28 : memref<!tpu.dma_semaphore, #tpu.memory_space<semaphore_mem>>) src(%arg13 : memref<128x128xf32, #tpu.memory_space<vmem>>) dst(%dma_wait3A_689 : memref<128x128xf32, #tpu.memory_space<hbm>>)
    %dma_wait3A_690 = arith.constant 0 : i32
    %dma_wait3A_691 = tpu.memref_slice %arg5[%add3A_589, %dma_wait3A_690] : memref<32768x128xf32, #tpu.memory_space<hbm>> -> memref<128x128xf32, #tpu.memory_space<hbm>>
    %dma_wait3A_692 = arith.constant 0 : i32
    %dma_wait3A_693 = tpu.memref_slice %arg5[%add3A_589, %dma_wait3A_692] : memref<32768x128xf32, #tpu.memory_space<hbm>> -> memref<128x128xf32, #tpu.memory_space<hbm>>
    tpu.wait_dma2 semaphore(%arg29 : memref<!tpu.dma_semaphore, #tpu.memory_space<semaphore_mem>>) src(%arg14 : memref<128x128xf32, #tpu.memory_space<vmem>>) dst(%dma_wait3A_693 : memref<128x128xf32, #tpu.memory_space<hbm>>)
    return
  }
}

module attributes {stable_mosaic.version = 14 : i64} {
  func.func @_tc_ln(%arg0: i32, %arg1: memref<8x512x128xf32, #tpu.memory_space<vmem>>, %arg2: memref<512x128xf32, #tpu.memory_space<vmem>>, %arg3: memref<1x128xf32, #tpu.memory_space<vmem>>, %arg4: memref<1x128xf32, #tpu.memory_space<vmem>>, %arg5: memref<8x512x128xf32, #tpu.memory_space<vmem>>) attributes {dimension_semantics = [#tpu.dimension_semantics<arbitrary>], iteration_bounds = array<i64: 8>, scalar_prefetch = 0 : i64, scratch_operands = 0 : i64, tpu.core_type = #tpu.core_type<tc>, window_params = [{transform_indices = @transform_0, window_bounds = array<i64: 8, 512, 128>}, {pipeline_mode = #tpu.pipeline_mode<synchronous>, transform_indices = @transform_1, window_bounds = array<i64: 512, 128>}, {pipeline_mode = #tpu.pipeline_mode<synchronous>, transform_indices = @transform_2, window_bounds = array<i64: 1, 128>}, {pipeline_mode = #tpu.pipeline_mode<synchronous>, transform_indices = @transform_3, window_bounds = array<i64: 1, 128>}, {transform_indices = @transform_4, window_bounds = array<i64: 8, 512, 128>}]} {
    %get3A = arith.constant 0 : index
    %get3A_0 = arith.constant 0 : index
    %get3A_1 = arith.constant 0 : index
    %get3A_2 = vector.load %arg1[%get3A, %get3A_0, %get3A_1] : memref<8x512x128xf32, #tpu.memory_space<vmem>>, vector<8x512x128xf32>
    %get3A_3 = arith.constant 0 : index
    %get3A_4 = arith.constant 0 : index
    %get3A_5 = vector.load %arg2[%get3A_3, %get3A_4] : memref<512x128xf32, #tpu.memory_space<vmem>>, vector<512x128xf32>
    %iota3A = tpu.iota {dimensions = array<i32: 0>} : vector<512x1xi32>
    %gt3A = arith.constant 0 : i32
    %gt3A_6 = vector.broadcast %gt3A : i32 to vector<512x1xi32>
    %gt3A_7 = arith.cmpi sgt, %iota3A, %gt3A_6 : vector<512x1xi32>
    %jit3A = arith.constant 0.000000e+00 : f32
    %broadcast_in_dim3A = vector.shape_cast %gt3A_7 : vector<512x1xi1> to vector<512x1xi1>
    %broadcast_in_dim3A_8 = vector.broadcast %broadcast_in_dim3A : vector<512x1xi1> to vector<512x128xi1>
    %broadcast_in_dim3A_9 = vector.broadcast %jit3A : f32 to vector<512x128xf32>
    %select_n3A = arith.select %broadcast_in_dim3A_8, %get3A_5, %broadcast_in_dim3A_9 : vector<512x128xi1>, vector<512x128xf32>
    %broadcast_in_dim3A_10 = vector.shape_cast %select_n3A : vector<512x128xf32> to vector<1x512x128xf32>
    %add3A = vector.broadcast %broadcast_in_dim3A_10 : vector<1x512x128xf32> to vector<8x512x128xf32>
    %add3A_11 = arith.addf %get3A_2, %add3A : vector<8x512x128xf32>
    %reduce_sum3A = arith.constant dense<0.000000e+00> : vector<8x512xf32>
    %reduce_sum3A_12 = vector.multi_reduction <add>, %add3A_11, %reduce_sum3A [2] : vector<8x512x128xf32> to vector<8x512xf32>
    %broadcast_in_dim3A_13 = vector.shape_cast %reduce_sum3A_12 : vector<8x512xf32> to vector<8x512x1xf32>
    %div3A = arith.constant 1.280000e+02 : f32
    %div3A_14 = vector.broadcast %div3A : f32 to vector<8x512x1xf32>
    %div3A_15 = arith.divf %broadcast_in_dim3A_13, %div3A_14 : vector<8x512x1xf32>
    %sub3A = vector.broadcast %div3A_15 : vector<8x512x1xf32> to vector<8x512x128xf32>
    %sub3A_16 = arith.subf %add3A_11, %sub3A : vector<8x512x128xf32>
    %mul3A = arith.mulf %sub3A_16, %sub3A_16 : vector<8x512x128xf32>
    %reduce_sum3A_17 = arith.constant dense<0.000000e+00> : vector<8x512xf32>
    %reduce_sum3A_18 = vector.multi_reduction <add>, %mul3A, %reduce_sum3A_17 [2] : vector<8x512x128xf32> to vector<8x512xf32>
    %broadcast_in_dim3A_19 = vector.shape_cast %reduce_sum3A_18 : vector<8x512xf32> to vector<8x512x1xf32>
    %div3A_20 = arith.constant 1.280000e+02 : f32
    %div3A_21 = vector.broadcast %div3A_20 : f32 to vector<8x512x1xf32>
    %div3A_22 = arith.divf %broadcast_in_dim3A_19, %div3A_21 : vector<8x512x1xf32>
    %add3A_23 = arith.constant 9.99999996E-13 : f32
    %add3A_24 = vector.broadcast %add3A_23 : f32 to vector<8x512x1xf32>
    %add3A_25 = arith.addf %div3A_22, %add3A_24 : vector<8x512x1xf32>
    %rsqrt3A = math.rsqrt %add3A_25 : vector<8x512x1xf32>
    %mul3A_26 = vector.broadcast %rsqrt3A : vector<8x512x1xf32> to vector<8x512x128xf32>
    %mul3A_27 = arith.mulf %sub3A_16, %mul3A_26 : vector<8x512x128xf32>
    %get3A_28 = arith.constant 0 : index
    %get3A_29 = arith.constant 0 : index
    %get3A_30 = vector.load %arg3[%get3A_28, %get3A_29] : memref<1x128xf32, #tpu.memory_space<vmem>>, vector<1x128xf32>
    %broadcast_in_dim3A_31 = vector.shape_cast %get3A_30 : vector<1x128xf32> to vector<1x1x128xf32>
    %mul3A_32 = vector.broadcast %broadcast_in_dim3A_31 : vector<1x1x128xf32> to vector<8x512x128xf32>
    %mul3A_33 = arith.mulf %mul3A_27, %mul3A_32 : vector<8x512x128xf32>
    %get3A_34 = arith.constant 0 : index
    %get3A_35 = arith.constant 0 : index
    %get3A_36 = vector.load %arg4[%get3A_34, %get3A_35] : memref<1x128xf32, #tpu.memory_space<vmem>>, vector<1x128xf32>
    %broadcast_in_dim3A_37 = vector.shape_cast %get3A_36 : vector<1x128xf32> to vector<1x1x128xf32>
    %add3A_38 = vector.broadcast %broadcast_in_dim3A_37 : vector<1x1x128xf32> to vector<8x512x128xf32>
    %add3A_39 = arith.addf %mul3A_33, %add3A_38 : vector<8x512x128xf32>
    %swap3A = arith.constant 0 : index
    %swap3A_40 = arith.constant 0 : index
    %swap3A_41 = arith.constant 0 : index
    %swap3A_42 = vector.load %arg5[%swap3A, %swap3A_40, %swap3A_41] : memref<8x512x128xf32, #tpu.memory_space<vmem>>, vector<8x512x128xf32>
    tpu.vector_store %arg5[%swap3A, %swap3A_40, %swap3A_41], %add3A_39 {strides = array<i32>} : memref<8x512x128xf32, #tpu.memory_space<vmem>>, vector<8x512x128xf32>,
    return
  }
  func.func @transform_0(%arg0: i32) -> (i32, i32, i32) {
    %c0_i32 = arith.constant 0 : i32
    %c0_i32_0 = arith.constant 0 : i32
    %c0_i32_1 = arith.constant 0 : i32
    return %arg0, %c0_i32, %c0_i32_0 : i32, i32, i32
  }
  func.func @transform_1(%arg0: i32) -> (i32, i32) {
    %c0_i32 = arith.constant 0 : i32
    %c0_i32_0 = arith.constant 0 : i32
    %c0_i32_1 = arith.constant 0 : i32
    return %c0_i32, %c0_i32_0 : i32, i32
  }
  func.func @transform_2(%arg0: i32) -> (i32, i32) {
    %c0_i32 = arith.constant 0 : i32
    %c0_i32_0 = arith.constant 0 : i32
    %c0_i32_1 = arith.constant 0 : i32
    return %c0_i32, %c0_i32_0 : i32, i32
  }
  func.func @transform_3(%arg0: i32) -> (i32, i32) {
    %c0_i32 = arith.constant 0 : i32
    %c0_i32_0 = arith.constant 0 : i32
    %c0_i32_1 = arith.constant 0 : i32
    return %c0_i32, %c0_i32_0 : i32, i32
  }
  func.func @transform_4(%arg0: i32) -> (i32, i32, i32) {
    %c0_i32 = arith.constant 0 : i32
    %c0_i32_0 = arith.constant 0 : i32
    %c0_i32_1 = arith.constant 0 : i32
    return %arg0, %c0_i32, %c0_i32_0 : i32, i32, i32
  }
}

</mosaic_0001>

<sc_bundles>
// kernel: kernel.4.cloned.1.call-start
scs
__scs_entry_jumppad:
0x0: {  	(pc) =	sbr.rel $0x88, $3  }
0x1: {  	(tag) =	ssettag $0x0;
	lr =	simm.s32 $0x1  }
0x2: {  	[smem:$0x3F9B] =	sst lr;
	_ =	strace $0xD0000000  }
0x3: {  	_ = 	snop  }
0x4: {  	_ = 	snop  }
0x5: {  	_ = 	snop  }
0x6: {  	_ = 	snop  }
0x7: {  	_ = 	snop  }
__scs_overlays_trampoline_lowered:
0x8: {  	[smem:$0x3FAA] =	sst s0  }
0x9: {  	[smem:$0x3FAB] =	sst s1  }
0xa: {  	[smem:$0x3FAC] =	sst s2  }
0xb: {  	[smem:$0x3FAD] =	sst s3  }
0xc: {  	[smem:$0x3FAE] =	sst s4  }
0xd: {  	[smem:$0x3FAF] =	sst s5  }
0xe: {  	[smem:$0x3FB0] =	sst s6  }
0xf: {  	[smem:$0x3FB1] =	sst s7  }
0x10: {  	[smem:$0x3FB2] =	sst s8  }
0x11: {  	[smem:$0x3FB3] =	sst s9;
	s0 =	simm.s32 @!p0 $0x0  }
0x12: {  	s1 =	sld [smem:$0x3F99];
	s0 =	simm.s32 @p0 $0x1  }
0x13: {  	[smem:$0x3FB4] =	sst s0;
	s0 =	simm.s32 @!p1 $0x0  }
0x14: {  	s2 =	sld [smem:$0x3F98];
	s0 =	simm.s32 @p1 $0x1  }
0x15: {  	[smem:$0x3FB5] =	sst s0;
	s0 =	simm.s32 @!p2 $0x0  }
0x16: {  	s3 =	sld [smem:$0x3FDB];
	s0 =	simm.s32 @p2 $0x1  }
0x17: {  	s4 =	simm.s32 $0x1BF5;
	[smem:$0x3FB7] =	sst s0  }
0x18: {  	s0 =	sld [smem:$0x3F9A];
	_ =	swait.ge [sflag:s4], $0x0  }
0x19: {  	s7 =	sld [smem:$0x3F9B]  }
0x1a: {  	s8 =	sadd.s32 $0xFFFFE003, lr  }
0x1b: {  	s9 =	sadd.s32 $0xFFFFFEF7, lr;
	s5 =	simm.s32 $0xFFFFFFFF;
	p2 =	slt.u32 s8, $0xFFFFF086  }
0x1c: {  	p1 =	slt.u32 s9, $0xF7A;
	s5 =	simm.s32 @!p2 $0x0  }
0x1d: {  	s5 =	simm.s32 @p1 $0x1;
	p0 =	seq.s32 s7, s2  }
0x1e: {  	s7 =	smul.u32 @!p0 $0xF7A, s2;
	p2 =	seq.s32 @!p0 s5, $0x0  }
0x1f: {  	s9 =	smul.u32 $0xF7A, s1;
	s8 =	simm.s32 @!p0 $0x1BF5;
	p2 =	por !p2, p0  }
0x20: {  	[sflag:s8] =	ssyncset.s32 @!p0 $0xFFFFF086;
	s6 =	sadd.s32 @!p0 s3, s7;
	s7 =	simm.s32 @!p0 $0x108  }
0x21: {  	s3 =	sadd.s32 s3, s9;
	s6 =	sadd.s32 @!p0 $0x88, s6;
	s7 =	simm.s32 @p2 $0x1082  }
0x22: {  	[simem:s7], [sflag:s8] =	dma.local @!p0 [hbm:s6], $0xF7A  }
0x23: {  	s9 =	sor.u32 $0xD0000000, s2;
	s6 =	simm.s32 $0x108;
	_ =	swait.ge @!p0 [sflag:s8], $0x0  }
0x24: {  	s3 =	sadd.s32 $0x88, s3;
	s6 =	simm.s32 @!p1 $0x1082;
	[sflag:s4] =	ssyncset.s32 $0xFFFFF086  }
0x25: {  	[simem:s6], [sflag:s4] =	dma.local [hbm:s3], $0xF7A  }
0x26: {  	[smem:$0x3F9B] =	sst s1;
	(tag) =	ssettag s2;
	_ =	strace s9  }
0x27: {  	s1 =	sld [smem:$0x3FAB]  }
0x28: {  	s2 =	sld [smem:$0x3FAC]  }
0x29: {  	s4 =	sld [smem:$0x3FAE]  }
0x2a: {  	p0 =	seq.s32 s5, $0x0;
	s5 =	sld [smem:$0x3FAF]  }
0x2b: {  	s6 =	sld [smem:$0x3FB0]  }
0x2c: {  	s7 =	sld [smem:$0x3FB1]  }
0x2d: {  	s3 =	simm.s32 $0x108;
	s8 =	sld [smem:$0x3FB2]  }
0x2e: {  	s3 =	simm.s32 @!p0 $0x1082;
	s9 =	sld [smem:$0x3FB3]  }
0x2f: {  	lr =	sadd.s32 s0, s3;
	s0 =	sld [smem:$0x3FAA]  }
0x30: {  	s3 =	sld [smem:$0x3FAD]  }
0x31: {  	[smem:$0x3FB6] =	sst s10  }
0x32: {  	s10 =	sld [smem:$0x3FB4];
	_ =	sdelay $0x3  }
0x33: {  	p0 =	seq.s32 s10, $0x1;
	s10 =	sld [smem:$0x3FB6];
	_ =	sdelay $0x3  }
0x34: {  	[smem:$0x3FB6] =	sst s10  }
0x35: {  	s10 =	sld [smem:$0x3FB5];
	_ =	sdelay $0x3  }
0x36: {  	p1 =	seq.s32 s10, $0x1;
	s10 =	sld [smem:$0x3FB6];
	_ =	sdelay $0x3  }
0x37: {  	[smem:$0x3FB6] =	sst s10  }
0x38: {  	s10 =	sld [smem:$0x3FB7]  }
0x39: {  	_ = 	snop;
	(pc) =	sbr.ind lr, $3  }
0x3a: {  	_ = 	snop  }
0x3b: {  	_ = 	snop  }
0x3c: {  	p2 =	seq.s32 s10, $0x1;
	s10 =	sld [smem:$0x3FB6]  }
0x3d: {  	_ =	shalt  }
0x3e: {  	_ =	shalt  }
0x3f: {  	_ =	shalt  }
0x40: {  	_ =	shalt  }
0x41: {  	_ =	shalt  }
0x42: {  	_ =	shalt  }
0x43: {  	_ =	shalt  }
0x44: {  	_ =	shalt  }
0x45: {  	_ =	shalt  }
0x46: {  	_ =	shalt  }
0x47: {  	_ =	shalt  }
0x48: {  	_ =	shalt  }
0x49: {  	_ =	shalt  }
0x4a: {  	_ =	shalt  }
0x4b: {  	_ =	shalt  }
0x4c: {  	_ =	shalt  }
0x4d: {  	_ =	shalt  }
0x4e: {  	_ =	shalt  }
0x4f: {  	_ =	shalt  }
0x50: {  	_ =	shalt  }
0x51: {  	_ =	shalt  }
0x52: {  	_ =	shalt  }
0x53: {  	_ =	shalt  }
0x54: {  	_ =	shalt  }
0x55: {  	_ =	shalt  }
0x56: {  	_ =	shalt  }
0x57: {  	_ =	shalt  }
0x58: {  	_ =	shalt  }
0x59: {  	_ =	shalt  }
0x5a: {  	_ =	shalt  }
0x5b: {  	_ =	shalt  }
0x5c: {  	_ =	shalt  }
0x5d: {  	_ =	shalt  }
0x5e: {  	_ =	shalt  }
0x5f: {  	_ =	shalt  }
0x60: {  	_ =	shalt  }
0x61: {  	_ =	shalt  }
0x62: {  	_ =	shalt  }
0x63: {  	_ =	shalt  }
0x64: {  	_ =	shalt  }
0x65: {  	_ =	shalt  }
0x66: {  	_ =	shalt  }
0x67: {  	_ =	shalt  }
0x68: {  	_ =	shalt  }
0x69: {  	_ =	shalt  }
0x6a: {  	_ =	shalt  }
0x6b: {  	_ =	shalt  }
0x6c: {  	_ =	shalt  }
0x6d: {  	_ =	shalt  }
0x6e: {  	_ =	shalt  }
0x6f: {  	_ =	shalt  }
0x70: {  	_ =	shalt  }
0x71: {  	_ =	shalt  }
0x72: {  	_ =	shalt  }
0x73: {  	_ =	shalt  }
0x74: {  	_ =	shalt  }
0x75: {  	_ =	shalt  }
0x76: {  	_ =	shalt  }
0x77: {  	_ =	shalt  }
0x78: {  	_ =	shalt  }
0x79: {  	_ =	shalt  }
0x7a: {  	_ =	shalt  }
0x7b: {  	_ =	shalt  }
0x7c: {  	_ =	shalt  }
0x7d: {  	_ =	shalt  }
0x7e: {  	_ =	shalt  }
0x7f: {  	_ =	shalt  }
0x80: {  	_ =	shalt  }
0x81: {  	_ =	shalt  }
0x82: {  	_ =	shalt  }
0x83: {  	_ =	shalt  }
0x84: {  	_ =	shalt  }
0x85: {  	_ =	shalt  }
0x86: {  	_ =	shalt  }
0x87: {  	_ =	shalt  }
.Lfunc_end0:
.L_simem_size_0:
called_computation_lowered:
.L_overlay_start_0:
0x88: {  	s2 =	sld [smem:$0x3FD9]  }
0x89: {  	s3 =	sld [smem:$0x3FFE];
	_ =	sdelay $0x1  }
0x8a: {  	s1 =	srdreg.scid  }
0x8b: {  	s0 =	sand.u32 $0x1, s1  }
0x8c: {  	s18 =	sshll.u32 s0, $0xA;
	s2 =	sadd.s32 s3, s2  }
0x8d: {  	s2 =	sadd.s32 s2, s18  }
0x8e: {  	[smem:$0x3FC2] =	sst s2  }
0x8f: {  	_ = 	snop  }
0x90: {  	s2 =	sld [smem:$0x3FC9]  }
0x91: {  	s19 =	sld [smem:$0x3FC8]  }
0x92: {  	s4 =	sld [smem:$0x3FC6]  }
0x93: {  	s5 =	sld [smem:$0x3FD0];
	(tm) =	ssettm $0x1  }
0x94: {  	s6 =	sld [smem:$0x3FFB];
	_ =	sdelay $0x3  }
0x95: {  	_ =	strace s6  }
0x96: {  	s6 =	sld [smem:$0x3FFC];
	_ =	sdelay $0x3  }
0x97: {  	_ =	strace s6  }
0x98: {  	s6 =	sld [smem:$0x3FFD];
	_ =	sdelay $0x3  }
0x99: {  	_ =	strace s6  }
0x9a: {  	_ =	strace $0x8FFFFFFF  }
0x9b: {  	s20 =	sld [smem:$0x3FDB];
	_ =	sdelay $0x1  }
0x9c: {  	s7 =	simm.s32 $_scs_section_size  }
0x9d: {  	s8 =	simm.s32 $_size__tile_overlayer_lowered;
	s9 =	simm.s32 $_tile_overlayer_lowered  }
0x9e: {  	s23 =	simm.s32 $0x1BFF;
	s22 =	sshll.u32 s9, $0x1;
	s6 =	sadd.s32 s7, s20  }
0x9f: {  	s10 =	simm.s32 $0x0;
	s21 =	sshll.u32 s8, $0x1;
	s8 =	sadd.s32 s22, s6  }
0xa0: {  	[timem:s10], [sflag:s23] =	dma.local [hbm:s8], s21  }
0xa1: {  	_ =	swait.ge [sflag:s23], s21  }
0xa2: {  	s7 =	ssub.s32 $0x0, s21;
	[sflag:s23] =	ssyncset.done $0x0  }
0xa3: {  	[sflag:s23] =	ssyncadd.s32 s7;
	_ =	sdelay $0x1  }
0xa4: {  	s24 =	simm.s32 $0x1B8B  }
0xa5: {  	_ =	swait.ge [sflag:s24], $0x1  }
0xa6: {  	[sflag:s24] =	ssyncset.done $0x0  }
0xa7: {  	s25 =	simm.s32 $0x1B8E;
	[sflag:s24] =	ssyncadd.s32 $0xFFFFFFFF  }
0xa8: {  	s26 =	simm.s32 $execute0_lowered;
	[smem:$0x3FD2] =	sst s25  }
0xa9: {  	s7 =	sshll.u32 s26, $0x1;
	_ =	strace $0x80000046;
	[dreg:$0x1] =	wrdreg $0xFFFFFFFF  }
0xaa: {  	s28 =	simm.s32 $_size_execute0_lowered;
	s6 =	sadd.s32 s6, s7;
	[dreg:$0x0] =	wrdreg $0x0  }
0xab: {  	s7 =	sshll.u32 s28, $0x1;
	[dreg:$0x2] =	wrdreg s6  }
0xac: {  	[dreg:$0x3] =	wrdreg s7  }
0xad: {  	[dreg:$0x4] =	wrdreg $0xC0  }
0xae: {  	_ =	task [dreg:s10], $0x5FFFF  }
0xaf: {  	[dreg:$0x1] =	wrdreg $0xFFFFFFFF  }
0xb0: {  	[dreg:$0x0] =	wrdreg $0x60  }
0xb1: {  	[dreg:$0x2] =	wrdreg s2  }
0xb2: {  	[dreg:$0x3] =	wrdreg s19  }
0xb3: {  	[dreg:$0x4] =	wrdreg s4  }
0xb4: {  	[dreg:$0x5] =	wrdreg s5  }
0xb5: {  	[dreg:$0x6] =	wrdreg $0x9  }
0xb6: {  	_ =	task.clear_ibuf [dreg:s10], $0x7FFFF;
	_ =	strace $0x90000046  }
0xb7: {  	s29 =	simm.s32 $0x9;
	_ =	strace $0x80000048  }
0xb8: {  	_ =	swait.ge [sflag:s29], $0x1  }
0xb9: {  	[sflag:s29] =	ssyncadd.s32 $0xFFFFFFFF  }
0xba: {  	_ =	strace $0x90000048  }
0xbb: {  	_ =	sfence  }
0xbc: {  	s30 =	sld [smem:$0x0];
	_ =	sdelay $0x2  }
0xbd: {  	s31 =	sshll.u32 s1, $0xD;
	s1 =	sshrl.u32 s1, $0x2  }
0xbe: {  	s3 =	sand.u32 $0x4000, s31;
	s1 =	sadd.s32 s1, s30  }
0xbf: {  	s0 =	sor.u32 s3, s0;
	s1 =	sshll.u32 s1, $0x11  }
0xc0: {  	s0 =	sor.u32 s1, s0  }
0xc1: {  	s0 =	sadd.s32 $0x8F2B, s0  }
0xc2: {  	[sflag:s0] =	ssyncadd.remote.s32 $0x1  }
0xc3: {  	_ =	sfence.sel $0xFFFF  }
0xc4: {  	[dreg:$0x0] =	wrdreg $0xFFFFFFFF;
	(pc) =	sbr.abs _section_cstart, $3  }
0xc5: {  	[dreg:$0x1] =	wrdreg $0xFFFFFFFF  }
0xc6: {  	_ =	task.clear_ibuf [dreg:s10], $0x2FFFF;
	_ =	strace $0x9FFFFFFF  }
0xc7: {  	(tm) =	ssettm $0x7FFFFFFF  }
tec
execute0_lowered:
.L_overlay_start_1:
0x0: {  	(tag) =	ssettag $0x1  }
0x1: {  	s0 =	rddreg [dreg:$0x0]  }
0x2: {  	s2 =	rddreg [dreg:$0x1]  }
0x3: {  	s1 =	rddreg [dreg:$0x2]  }
0x4: {  	s4 =	rddreg [dreg:$0x3]  }
0x5: {  	s10 =	stileid.u32;
	s5 =	srdreg.scid  }
0x6: {  	s3 =	simm.s32 $0x0;
	s20 =	simm.s32 $0x800;
	s21 =	simm.s32 $0x400  }
0x7: {  	s22 =	simm.s32 $0x100;
	s23 =	simm.s32 $0x180;
	[dreg:$0x5] =	wrdreg s1  }
0x8: {  	s24 =	simm.s32 $0x280;
	s25 =	simm.s32 $0x300;
	[smem:$0x7FF] =	sst s3  }
0x9: {  	v0 =	vlaneseq.u32;
	s26 =	simm.s32 $0x380;
	_ =	strace $0x80000047;
	[dreg:$0xe] =	wrdreg s20  }
0xa: {  	s28 =	simm.s32 $0xA;
	s29 =	simm.s32 $0xB;
	v1 =	vand.u32 $0x7, v0;
	v2 =	vor.u32 $0x10, v0;
	[dreg:$0xf] =	wrdreg s21  }
0xb: {  	s30 =	simm.s32 $0xC;
	s31 =	simm.s32 $0xD;
	v3 =	vor.u32 $0x20, v0;
	v4 =	vor.u32 $0x30, v0;
	v5 =	vor.u32 $0x40, v0;
	[dreg:$0x10] =	wrdreg s22  }
0xc: {  	s6 =	sshll.u32 s10, $0x1;
	s5 =	sand.u32 $0x1, s5;
	v6 =	vor.u32 $0x50, v0;
	v7 =	vor.u32 $0x60, v0;
	v8 =	vor.u32 $0x70, v0;
	[dreg:$0x11] =	wrdreg s23  }
0xd: {  	s7 =	sshrl.u32 s10, $0x1;
	v11 =	vor.u32 $0xA0, v0;
	v12 =	vor.u32 $0xB0, v0;
	v13 =	vor.u32 $0xC0, v0;
	s6 =	sand.u32 $0x2, s6;
	[dreg:$0x12] =	wrdreg s24  }
0xe: {  	v14 =	vor.u32 $0xD0, v0;
	v15 =	vor.u32 $0xE0, v0;
	v16 =	vor.u32 $0xF0, v0;
	s9 =	sshll.u32 s7, $0x9;
	s7 =	sshll.u32 s7, $0x10;
	[dreg:$0x13] =	wrdreg s25  }
0xf: {  	v17 =	vor.u32 $0x100, v0;
	v18 =	vor.u32 $0x110, v0;
	v19 =	vor.u32 $0x120, v0;
	[dreg:$0x14] =	wrdreg s26;
	s20 =	simm.s32 $0x2;
	s21 =	simm.s32 $0x3  }
0x10: {  	v20 =	vor.u32 $0x130, v0;
	v21 =	vor.u32 $0x140, v0;
	v22 =	vor.u32 $0x150, v0;
	s22 =	simm.s32 $0x4;
	s23 =	simm.s32 $0x5;
	s24 =	simm.s32 $0x6  }
0x11: {  	v23 =	vor.u32 $0x160, v0;
	v24 =	vor.u32 $0x170, v0;
	v25 =	vor.u32 $0x180, v0;
	s25 =	simm.s32 $0x7;
	s26 =	simm.s32 $0x9;
	s6 =	sor.u32 s5, s6  }
0x12: {  	v26 =	vor.u32 $0x190, v0;
	v27 =	vor.u32 $0x1A0, v0;
	v28 =	vor.u32 $0x1B0, v0;
	s0 =	sadd.s32 s0, s9;
	s5 =	ssub.s32 $0x2, s5;
	s9 =	simm.s32 $0x80  }
0x13: {  	v29 =	vor.u32 $0x1C0, v0;
	v30 =	vor.u32 $0x1D0, v0;
	v31 =	vor.u32 $0x1E0, v0;
	s8 =	sshll.u32 s6, $0xB;
	s10 =	sshll.u32 s6, $0x6;
	s18 =	sshrl.u32 s5, $0x1  }
0x14: {  	v32 =	vor.u32 $0x1F0, v0;
	v33 =	vor.u32 $0x200, v0;
	v34 =	vor.u32 $0x210, v0;
	p0 =	seq.s32 s6, $0x0;
	s7 =	sor.u32 s7, s8;
	s0 =	sadd.s32 s10, s0  }
0x15: {  	v35 =	vor.u32 $0x220, v0;
	v36 =	vor.u32 $0x230, v0;
	v37 =	vor.u32 $0x240, v0;
	s5 =	ssub.s32 s5, s18;
	s11 =	sadd.s32 s4, s7;
	[dreg:$0x6] =	wrdreg s0  }
0x16: {  	v38 =	vor.u32 $0x250, v0;
	v39 =	vor.u32 $0x260, v0;
	v40 =	vor.u32 $0x270, v0;
	s8 =	simm.s32 $0x1C480;
	s12 =	sadd.s32 $0x2000, s11;
	[dreg:$0x15] =	wrdreg s11  }
0x17: {  	v41 =	vor.u32 $0x280, v0;
	v42 =	vor.u32 $0x290, v0;
	v43 =	vor.u32 $0x2A0, v0;
	s10 =	simm.s32 $0x480;
	s13 =	sadd.s32 $0x4000, s11;
	[dreg:$0x7] =	wrdreg s12  }
0x18: {  	v44 =	vor.u32 $0x2B0, v0;
	v45 =	vor.u32 $0x2C0, v0;
	v46 =	vor.u32 $0x2D0, v0;
	s18 =	simm.s32 $0x1;
	s14 =	sadd.s32 $0x6000, s11;
	[dreg:$0x8] =	wrdreg s13  }
0x19: {  	v47 =	vor.u32 $0x2E0, v0;
	v48 =	vor.u32 $0x2F0, v0;
	v49 =	vor.u32 $0x300, v0;
	s5 =	smax.u32 s5, $0x1;
	s15 =	sadd.s32 $0x8000, s11;
	[dreg:$0x9] =	wrdreg s14  }
0x1a: {  	v50 =	vor.u32 $0x310, v0;
	v51 =	vor.u32 $0x320, v0;
	v52 =	vor.u32 $0x330, v0;
	s7 =	simm.s32 $0x10;
	s16 =	sadd.s32 $0xA000, s11;
	[dreg:$0xa] =	wrdreg s15  }
0x1b: {  	v53 =	vor.u32 $0x340, v0;
	v54 =	vor.u32 $0x350, v0;
	v1 =	vmul.u32 $0x80, v1;
	s0 =	simm.s32 $0xE;
	s17 =	sadd.s32 $0xC000, s11;
	[dreg:$0xb] =	wrdreg s16  }
0x1c: {  	v55 =	vor.u32 $0x360, v0;
	v56 =	vor.u32 $0x370, v0;
	v57 =	vor.u32 $0x380, v0;
	s4 =	simm.s32 $0x200;
	s19 =	sadd.s32 $0xE000, s11;
	[dreg:$0xc] =	wrdreg s17  }
0x1d: {  	v58 =	vor.u32 $0x390, v0;
	v59 =	vor.u32 $0x3A0, v0;
	[tilespmem:$0x1FFD0] =	vst v1;
	v1 =	vor.u32 $0x80, v0;
	s11 =	simm.s32 $0x4480;
	[dreg:$0xd] =	wrdreg s19;
	s12 =	simm.s32 $0x8480  }
0x1e: {  	v60 =	vor.u32 $0x3B0, v0;
	[tilespmem:$0x1FFE0] =	vst v1;
	v1 =	vor.u32 $0x90, v0;
	s13 =	simm.s32 $0xC480;
	s14 =	simm.s32 $0x10480;
	s15 =	simm.s32 $0x14480  }
0x1f: {  	v61 =	vor.u32 $0x3C0, v0;
	v62 =	vor.u32 $0x3D0, v0;
	v63 =	vor.u32 $0x3E0, v0;
	[tilespmem:$0x1FFF0] =	vst v1;
	s16 =	simm.s32 $0x18480;
	s17 =	simm.s32 $0xF;
	s19 =	simm.s32 $0x8  }
.LBB2_1:
0x20: {  	s1 =	rddreg [dreg:$0x6]  }
0x21: {  	s6 =	rddreg [dreg:$0xe]  }
0x22: {  	[tilespmem:s3], [sflag:$0x10] =	stream.strided.gather [hbm4b:s1+s4], $0x400, s6, s4, $0x38;
	[tilespmem:$0x1CC80] =	vst v63  }
0x23: {  	_ =	swait.ge [sflag:s7], $0x400  }
0x24: {  	v1 =	vld [tilespmem:$0x1FFD0];
	_ =	sdelay $0x5  }
0x25: {  	[sflag:s7] =	ssyncset.done $0x0  }
0x26: {  	[sflag:s7] =	ssyncadd.s32 $0xFFFFFC00  }
0x27: {  	v1 =	vld.idx.msk [tilespmem:v1+s3+$0x0], $0xffff;
	_ =	sdelay $0x3  }
0x28: {  	s1 =	rddreg [dreg:$0x5]  }
0x29: {  	s6 =	rddreg [dreg:$0xf];
	[tilespmem:$0x400] =	vst v1  }
0x2a: {  	[tilespmem:s8], [sflag:$0xF] =	stream.indirect.gather [hbm4b:s1+s7], $0x80, s6, s7, $0xb8;
	[tilespmem:$0x1CC80] =	vst v63  }
0x2b: {  	_ = 	snop  }
0x2c: {  	[tilespmem:s10], [sflag:$0x1] =	stream.indirect.gather [hbm4b:s2+s9], $0x80, s3, s9, $0xb8;
	[tilespmem:$0x1CC80] =	vst v63  }
0x2d: {  	_ = 	snop  }
0x2e: {  	[tilespmem:s11], [sflag:$0x2] =	stream.indirect.gather [hbm4b:s2+s9], $0x80, s9, s9, $0xb8;
	[tilespmem:$0x1CC80] =	vst v63  }
0x2f: {  	s1 =	rddreg [dreg:$0x10]  }
0x30: {  	[tilespmem:s12], [sflag:$0x3] =	stream.indirect.gather [hbm4b:s2+s9], $0x80, s1, s9, $0xb8;
	[tilespmem:$0x1CC80] =	vst v63  }
0x31: {  	s6 =	rddreg [dreg:$0x11]  }
0x32: {  	[tilespmem:s13], [sflag:$0x4] =	stream.indirect.gather [hbm4b:s2+s9], $0x80, s6, s9, $0xb8;
	[tilespmem:$0x1CC80] =	vst v63  }
0x33: {  	_ = 	snop  }
0x34: {  	[tilespmem:s14], [sflag:$0x5] =	stream.indirect.gather [hbm4b:s2+s9], $0x80, s4, s9, $0xb8;
	[tilespmem:$0x1CC80] =	vst v63  }
0x35: {  	s1 =	rddreg [dreg:$0x12]  }
0x36: {  	[tilespmem:s15], [sflag:$0x6] =	stream.indirect.gather [hbm4b:s2+s9], $0x80, s1, s9, $0xb8;
	[tilespmem:$0x1CC80] =	vst v63  }
0x37: {  	s6 =	rddreg [dreg:$0x13]  }
0x38: {  	[tilespmem:s16], [sflag:$0x7] =	stream.indirect.gather [hbm4b:s2+s9], $0x80, s6, s9, $0xb8;
	[tilespmem:$0x1CC80] =	vst v63  }
0x39: {  	_ =	swait.ge [sflag:s17], $0x800  }
0x3a: {  	[sflag:s17] =	ssyncset.done $0x0  }
0x3b: {  	[sflag:s17] =	ssyncadd.s32 $0xFFFFF800  }
0x3c: {  	_ =	swait.ge [sflag:s18], $0x4000  }
0x3d: {  	[sflag:s18] =	ssyncset.done $0x0  }
0x3e: {  	[sflag:s18] =	ssyncadd.s32 $0xFFFFC000  }
0x3f: {  	v1 =	vld.idx.msk [tilespmem:v0+s10+$0x0], $0xffff  }
0x40: {  	v9 =	vld.idx.msk [tilespmem:v0+s8+$0x0], $0xffff;
	_ =	sdelay $0x4  }
0x41: {  	v1 =	vpsel p0, v9, v1  }
0x42: {  	[tilespmem:v0+s10+$0x0] =	vst.idx.msk $0xffff, v1  }
0x43: {  	v1 =	vld.idx.msk [tilespmem:v2+s10+$0x0], $0xffff  }
0x44: {  	v9 =	vld.idx.msk [tilespmem:v2+s8+$0x0], $0xffff;
	_ =	sdelay $0x4  }
0x45: {  	v1 =	vpsel p0, v9, v1  }
0x46: {  	[tilespmem:v2+s10+$0x0] =	vst.idx.msk $0xffff, v1  }
0x47: {  	v1 =	vld.idx.msk [tilespmem:v3+s10+$0x0], $0xffff  }
0x48: {  	v9 =	vld.idx.msk [tilespmem:v3+s8+$0x0], $0xffff;
	_ =	sdelay $0x4  }
0x49: {  	v1 =	vpsel p0, v9, v1  }
0x4a: {  	[tilespmem:v3+s10+$0x0] =	vst.idx.msk $0xffff, v1  }
0x4b: {  	v1 =	vld.idx.msk [tilespmem:v4+s10+$0x0], $0xffff  }
0x4c: {  	v9 =	vld.idx.msk [tilespmem:v4+s8+$0x0], $0xffff;
	_ =	sdelay $0x4  }
0x4d: {  	v1 =	vpsel p0, v9, v1  }
0x4e: {  	[tilespmem:v4+s10+$0x0] =	vst.idx.msk $0xffff, v1  }
0x4f: {  	v1 =	vld.idx.msk [tilespmem:v5+s10+$0x0], $0xffff  }
0x50: {  	v9 =	vld.idx.msk [tilespmem:v5+s8+$0x0], $0xffff;
	_ =	sdelay $0x4  }
0x51: {  	v1 =	vpsel p0, v9, v1  }
0x52: {  	[tilespmem:v5+s10+$0x0] =	vst.idx.msk $0xffff, v1  }
0x53: {  	v1 =	vld.idx.msk [tilespmem:v6+s10+$0x0], $0xffff  }
0x54: {  	v9 =	vld.idx.msk [tilespmem:v6+s8+$0x0], $0xffff;
	_ =	sdelay $0x4  }
0x55: {  	v1 =	vpsel p0, v9, v1  }
0x56: {  	[tilespmem:v6+s10+$0x0] =	vst.idx.msk $0xffff, v1  }
0x57: {  	v1 =	vld.idx.msk [tilespmem:v7+s10+$0x0], $0xffff  }
0x58: {  	v9 =	vld.idx.msk [tilespmem:v7+s8+$0x0], $0xffff;
	_ =	sdelay $0x4  }
0x59: {  	v1 =	vpsel p0, v9, v1  }
0x5a: {  	[tilespmem:v7+s10+$0x0] =	vst.idx.msk $0xffff, v1  }
0x5b: {  	v1 =	vld.idx.msk [tilespmem:v8+s10+$0x0], $0xffff  }
0x5c: {  	v9 =	vld.idx.msk [tilespmem:v8+s8+$0x0], $0xffff;
	_ =	sdelay $0x4  }
0x5d: {  	v1 =	vpsel p0, v9, v1  }
0x5e: {  	s6 =	rddreg [dreg:$0x15];
	[tilespmem:v8+s10+$0x0] =	vst.idx.msk $0xffff, v1  }
0x5f: {  	[hbm4b:s6+s3] =	stream.linear.scatter [tilespmem:s10], [sflag:$0x8], $0x4000, $0x38;
	[tilespmem:$0x1CC80] =	vst v63  }
0x60: {  	_ =	swait.ge [sflag:s19], $0x4000  }
0x61: {  	[sflag:s19] =	ssyncset.done $0x0  }
0x62: {  	s6 =	rddreg [dreg:$0x14];
	[sflag:s19] =	ssyncadd.s32 $0xFFFFC000  }
0x63: {  	[tilespmem:s10], [sflag:$0x1] =	stream.indirect.gather [hbm4b:s2+s9], $0x80, s6, s9, $0xb8;
	[tilespmem:$0x1CC80] =	vst v63  }
0x64: {  	_ =	swait.ge [sflag:s20], $0x4000  }
0x65: {  	v9 =	vld [tilespmem:$0x1FFE0];
	_ =	sdelay $0x4  }
0x66: {  	[sflag:s20] =	ssyncset.done $0x0  }
0x67: {  	[sflag:s20] =	ssyncadd.s32 $0xFFFFC000  }
0x68: {  	v1 =	vld.idx.msk [tilespmem:v0+s11+$0x0], $0xffff  }
0x69: {  	v9 =	vld.idx.msk [tilespmem:v9+s8+$0x0], $0xffff;
	_ =	sdelay $0x4  }
0x6a: {  	v1 =	vpsel p0, v9, v1;
	v9 =	vld [tilespmem:$0x1FFF0];
	_ =	sdelay $0x5  }
0x6b: {  	[tilespmem:v0+s11+$0x0] =	vst.idx.msk $0xffff, v1  }
0x6c: {  	v1 =	vld.idx.msk [tilespmem:v2+s11+$0x0], $0xffff  }
0x6d: {  	v9 =	vld.idx.msk [tilespmem:v9+s8+$0x0], $0xffff;
	_ =	sdelay $0x4  }
0x6e: {  	v1 =	vpsel p0, v9, v1  }
0x6f: {  	[tilespmem:v2+s11+$0x0] =	vst.idx.msk $0xffff, v1  }
0x70: {  	v1 =	vld.idx.msk [tilespmem:v3+s11+$0x0], $0xffff  }
0x71: {  	v9 =	vld.idx.msk [tilespmem:v11+s8+$0x0], $0xffff;
	_ =	sdelay $0x4  }
0x72: {  	v1 =	vpsel p0, v9, v1  }
0x73: {  	[tilespmem:v3+s11+$0x0] =	vst.idx.msk $0xffff, v1  }
0x74: {  	v1 =	vld.idx.msk [tilespmem:v4+s11+$0x0], $0xffff  }
0x75: {  	v9 =	vld.idx.msk [tilespmem:v12+s8+$0x0], $0xffff;
	_ =	sdelay $0x4  }
0x76: {  	v1 =	vpsel p0, v9, v1  }
0x77: {  	[tilespmem:v4+s11+$0x0] =	vst.idx.msk $0xffff, v1  }
0x78: {  	v1 =	vld.idx.msk [tilespmem:v5+s11+$0x0], $0xffff  }
0x79: {  	v9 =	vld.idx.msk [tilespmem:v13+s8+$0x0], $0xffff;
	_ =	sdelay $0x4  }
0x7a: {  	v1 =	vpsel p0, v9, v1  }
0x7b: {  	[tilespmem:v5+s11+$0x0] =	vst.idx.msk $0xffff, v1  }
0x7c: {  	v1 =	vld.idx.msk [tilespmem:v6+s11+$0x0], $0xffff  }
0x7d: {  	v9 =	vld.idx.msk [tilespmem:v14+s8+$0x0], $0xffff;
	_ =	sdelay $0x4  }
0x7e: {  	v1 =	vpsel p0, v9, v1  }
0x7f: {  	[tilespmem:v6+s11+$0x0] =	vst.idx.msk $0xffff, v1  }
0x80: {  	v1 =	vld.idx.msk [tilespmem:v7+s11+$0x0], $0xffff  }
0x81: {  	v9 =	vld.idx.msk [tilespmem:v15+s8+$0x0], $0xffff;
	_ =	sdelay $0x4  }
0x82: {  	v1 =	vpsel p0, v9, v1  }
0x83: {  	[tilespmem:v7+s11+$0x0] =	vst.idx.msk $0xffff, v1  }
0x84: {  	v1 =	vld.idx.msk [tilespmem:v8+s11+$0x0], $0xffff  }
0x85: {  	v9 =	vld.idx.msk [tilespmem:v16+s8+$0x0], $0xffff;
	_ =	sdelay $0x4  }
0x86: {  	v1 =	vpsel p0, v9, v1  }
0x87: {  	s6 =	rddreg [dreg:$0x7];
	[tilespmem:v8+s11+$0x0] =	vst.idx.msk $0xffff, v1  }
0x88: {  	[hbm4b:s6+s3] =	stream.linear.scatter [tilespmem:s11], [sflag:$0x9], $0x4000, $0x38;
	[tilespmem:$0x1CC80] =	vst v63  }
0x89: {  	_ =	swait.ge [sflag:s21], $0x4000  }
0x8a: {  	[sflag:s21] =	ssyncset.done $0x0  }
0x8b: {  	[sflag:s21] =	ssyncadd.s32 $0xFFFFC000  }
0x8c: {  	v1 =	vld.idx.msk [tilespmem:v0+s12+$0x0], $0xffff  }
0x8d: {  	v9 =	vld.idx.msk [tilespmem:v17+s8+$0x0], $0xffff;
	_ =	sdelay $0x4  }
0x8e: {  	v1 =	vpsel p0, v9, v1  }
0x8f: {  	[tilespmem:v0+s12+$0x0] =	vst.idx.msk $0xffff, v1  }
0x90: {  	v1 =	vld.idx.msk [tilespmem:v2+s12+$0x0], $0xffff  }
0x91: {  	v9 =	vld.idx.msk [tilespmem:v18+s8+$0x0], $0xffff;
	_ =	sdelay $0x4  }
0x92: {  	v1 =	vpsel p0, v9, v1  }
0x93: {  	[tilespmem:v2+s12+$0x0] =	vst.idx.msk $0xffff, v1  }
0x94: {  	v1 =	vld.idx.msk [tilespmem:v3+s12+$0x0], $0xffff  }
0x95: {  	v9 =	vld.idx.msk [tilespmem:v19+s8+$0x0], $0xffff;
	_ =	sdelay $0x4  }
0x96: {  	v1 =	vpsel p0, v9, v1  }
0x97: {  	[tilespmem:v3+s12+$0x0] =	vst.idx.msk $0xffff, v1  }
0x98: {  	v1 =	vld.idx.msk [tilespmem:v4+s12+$0x0], $0xffff  }
0x99: {  	v9 =	vld.idx.msk [tilespmem:v20+s8+$0x0], $0xffff;
	_ =	sdelay $0x4  }
0x9a: {  	v1 =	vpsel p0, v9, v1  }
0x9b: {  	[tilespmem:v4+s12+$0x0] =	vst.idx.msk $0xffff, v1  }
0x9c: {  	v1 =	vld.idx.msk [tilespmem:v5+s12+$0x0], $0xffff  }
0x9d: {  	v9 =	vld.idx.msk [tilespmem:v21+s8+$0x0], $0xffff;
	_ =	sdelay $0x4  }
0x9e: {  	v1 =	vpsel p0, v9, v1  }
0x9f: {  	[tilespmem:v5+s12+$0x0] =	vst.idx.msk $0xffff, v1  }
0xa0: {  	v1 =	vld.idx.msk [tilespmem:v6+s12+$0x0], $0xffff  }
0xa1: {  	v9 =	vld.idx.msk [tilespmem:v22+s8+$0x0], $0xffff;
	_ =	sdelay $0x4  }
0xa2: {  	v1 =	vpsel p0, v9, v1  }
0xa3: {  	[tilespmem:v6+s12+$0x0] =	vst.idx.msk $0xffff, v1  }
0xa4: {  	v1 =	vld.idx.msk [tilespmem:v7+s12+$0x0], $0xffff  }
0xa5: {  	v9 =	vld.idx.msk [tilespmem:v23+s8+$0x0], $0xffff;
	_ =	sdelay $0x4  }
0xa6: {  	v1 =	vpsel p0, v9, v1  }
0xa7: {  	[tilespmem:v7+s12+$0x0] =	vst.idx.msk $0xffff, v1  }
0xa8: {  	v1 =	vld.idx.msk [tilespmem:v8+s12+$0x0], $0xffff  }
0xa9: {  	v9 =	vld.idx.msk [tilespmem:v24+s8+$0x0], $0xffff;
	_ =	sdelay $0x4  }
0xaa: {  	v1 =	vpsel p0, v9, v1  }
0xab: {  	s6 =	rddreg [dreg:$0x8];
	[tilespmem:v8+s12+$0x0] =	vst.idx.msk $0xffff, v1  }
0xac: {  	[hbm4b:s6+s3] =	stream.linear.scatter [tilespmem:s12], [sflag:$0xA], $0x4000, $0x38;
	[tilespmem:$0x1CC80] =	vst v63  }
0xad: {  	_ =	swait.ge [sflag:s22], $0x4000  }
0xae: {  	[sflag:s22] =	ssyncset.done $0x0  }
0xaf: {  	[sflag:s22] =	ssyncadd.s32 $0xFFFFC000  }
0xb0: {  	v1 =	vld.idx.msk [tilespmem:v0+s13+$0x0], $0xffff  }
0xb1: {  	v9 =	vld.idx.msk [tilespmem:v25+s8+$0x0], $0xffff;
	_ =	sdelay $0x4  }
0xb2: {  	v1 =	vpsel p0, v9, v1  }
0xb3: {  	[tilespmem:v0+s13+$0x0] =	vst.idx.msk $0xffff, v1  }
0xb4: {  	v1 =	vld.idx.msk [tilespmem:v2+s13+$0x0], $0xffff  }
0xb5: {  	v9 =	vld.idx.msk [tilespmem:v26+s8+$0x0], $0xffff;
	_ =	sdelay $0x4  }
0xb6: {  	v1 =	vpsel p0, v9, v1  }
0xb7: {  	[tilespmem:v2+s13+$0x0] =	vst.idx.msk $0xffff, v1  }
0xb8: {  	v1 =	vld.idx.msk [tilespmem:v3+s13+$0x0], $0xffff  }
0xb9: {  	v9 =	vld.idx.msk [tilespmem:v27+s8+$0x0], $0xffff;
	_ =	sdelay $0x4  }
0xba: {  	v1 =	vpsel p0, v9, v1  }
0xbb: {  	[tilespmem:v3+s13+$0x0] =	vst.idx.msk $0xffff, v1  }
0xbc: {  	v1 =	vld.idx.msk [tilespmem:v4+s13+$0x0], $0xffff  }
0xbd: {  	v9 =	vld.idx.msk [tilespmem:v28+s8+$0x0], $0xffff;
	_ =	sdelay $0x4  }
0xbe: {  	v1 =	vpsel p0, v9, v1  }
0xbf: {  	[tilespmem:v4+s13+$0x0] =	vst.idx.msk $0xffff, v1  }
0xc0: {  	v1 =	vld.idx.msk [tilespmem:v5+s13+$0x0], $0xffff  }
0xc1: {  	v9 =	vld.idx.msk [tilespmem:v29+s8+$0x0], $0xffff;
	_ =	sdelay $0x4  }
0xc2: {  	v1 =	vpsel p0, v9, v1  }
0xc3: {  	[tilespmem:v5+s13+$0x0] =	vst.idx.msk $0xffff, v1  }
0xc4: {  	v1 =	vld.idx.msk [tilespmem:v6+s13+$0x0], $0xffff  }
0xc5: {  	v9 =	vld.idx.msk [tilespmem:v30+s8+$0x0], $0xffff;
	_ =	sdelay $0x4  }
0xc6: {  	v1 =	vpsel p0, v9, v1  }
0xc7: {  	[tilespmem:v6+s13+$0x0] =	vst.idx.msk $0xffff, v1  }
0xc8: {  	v1 =	vld.idx.msk [tilespmem:v7+s13+$0x0], $0xffff  }
0xc9: {  	v9 =	vld.idx.msk [tilespmem:v31+s8+$0x0], $0xffff;
	_ =	sdelay $0x4  }
0xca: {  	v1 =	vpsel p0, v9, v1  }
0xcb: {  	[tilespmem:v7+s13+$0x0] =	vst.idx.msk $0xffff, v1  }
0xcc: {  	v1 =	vld.idx.msk [tilespmem:v8+s13+$0x0], $0xffff  }
0xcd: {  	v9 =	vld.idx.msk [tilespmem:v32+s8+$0x0], $0xffff;
	_ =	sdelay $0x4  }
0xce: {  	v1 =	vpsel p0, v9, v1  }
0xcf: {  	s6 =	rddreg [dreg:$0x9];
	[tilespmem:v8+s13+$0x0] =	vst.idx.msk $0xffff, v1  }
0xd0: {  	[hbm4b:s6+s3] =	stream.linear.scatter [tilespmem:s13], [sflag:$0xB], $0x4000, $0x38;
	[tilespmem:$0x1CC80] =	vst v63  }
0xd1: {  	_ =	swait.ge [sflag:s23], $0x4000  }
0xd2: {  	[sflag:s23] =	ssyncset.done $0x0  }
0xd3: {  	[sflag:s23] =	ssyncadd.s32 $0xFFFFC000  }
0xd4: {  	v1 =	vld.idx.msk [tilespmem:v0+s14+$0x0], $0xffff  }
0xd5: {  	v9 =	vld.idx.msk [tilespmem:v33+s8+$0x0], $0xffff;
	_ =	sdelay $0x4  }
0xd6: {  	v1 =	vpsel p0, v9, v1  }
0xd7: {  	[tilespmem:v0+s14+$0x0] =	vst.idx.msk $0xffff, v1  }
0xd8: {  	v1 =	vld.idx.msk [tilespmem:v2+s14+$0x0], $0xffff  }
0xd9: {  	v9 =	vld.idx.msk [tilespmem:v34+s8+$0x0], $0xffff;
	_ =	sdelay $0x4  }
0xda: {  	v1 =	vpsel p0, v9, v1  }
0xdb: {  	[tilespmem:v2+s14+$0x0] =	vst.idx.msk $0xffff, v1  }
0xdc: {  	v1 =	vld.idx.msk [tilespmem:v3+s14+$0x0], $0xffff  }
0xdd: {  	v9 =	vld.idx.msk [tilespmem:v35+s8+$0x0], $0xffff;
	_ =	sdelay $0x4  }
0xde: {  	v1 =	vpsel p0, v9, v1  }
0xdf: {  	[tilespmem:v3+s14+$0x0] =	vst.idx.msk $0xffff, v1  }
0xe0: {  	v1 =	vld.idx.msk [tilespmem:v4+s14+$0x0], $0xffff  }
0xe1: {  	v9 =	vld.idx.msk [tilespmem:v36+s8+$0x0], $0xffff;
	_ =	sdelay $0x4  }
0xe2: {  	v1 =	vpsel p0, v9, v1  }
0xe3: {  	[tilespmem:v4+s14+$0x0] =	vst.idx.msk $0xffff, v1  }
0xe4: {  	v1 =	vld.idx.msk [tilespmem:v5+s14+$0x0], $0xffff  }
0xe5: {  	v9 =	vld.idx.msk [tilespmem:v37+s8+$0x0], $0xffff;
	_ =	sdelay $0x4  }
0xe6: {  	v1 =	vpsel p0, v9, v1  }
0xe7: {  	[tilespmem:v5+s14+$0x0] =	vst.idx.msk $0xffff, v1  }
0xe8: {  	v1 =	vld.idx.msk [tilespmem:v6+s14+$0x0], $0xffff  }
0xe9: {  	v9 =	vld.idx.msk [tilespmem:v38+s8+$0x0], $0xffff;
	_ =	sdelay $0x4  }
0xea: {  	v1 =	vpsel p0, v9, v1  }
0xeb: {  	[tilespmem:v6+s14+$0x0] =	vst.idx.msk $0xffff, v1  }
0xec: {  	v1 =	vld.idx.msk [tilespmem:v7+s14+$0x0], $0xffff  }
0xed: {  	v9 =	vld.idx.msk [tilespmem:v39+s8+$0x0], $0xffff;
	_ =	sdelay $0x4  }
0xee: {  	v1 =	vpsel p0, v9, v1  }
0xef: {  	[tilespmem:v7+s14+$0x0] =	vst.idx.msk $0xffff, v1  }
0xf0: {  	v1 =	vld.idx.msk [tilespmem:v8+s14+$0x0], $0xffff  }
0xf1: {  	v9 =	vld.idx.msk [tilespmem:v40+s8+$0x0], $0xffff;
	_ =	sdelay $0x4  }
0xf2: {  	v1 =	vpsel p0, v9, v1  }
0xf3: {  	s6 =	rddreg [dreg:$0xa];
	[tilespmem:v8+s14+$0x0] =	vst.idx.msk $0xffff, v1  }
0xf4: {  	[hbm4b:s6+s3] =	stream.linear.scatter [tilespmem:s14], [sflag:$0xC], $0x4000, $0x38;
	[tilespmem:$0x1CC80] =	vst v63  }
0xf5: {  	_ =	swait.ge [sflag:s24], $0x4000  }
0xf6: {  	[sflag:s24] =	ssyncset.done $0x0  }
0xf7: {  	[sflag:s24] =	ssyncadd.s32 $0xFFFFC000  }
0xf8: {  	v1 =	vld.idx.msk [tilespmem:v0+s15+$0x0], $0xffff  }
0xf9: {  	v9 =	vld.idx.msk [tilespmem:v41+s8+$0x0], $0xffff;
	_ =	sdelay $0x4  }
0xfa: {  	v1 =	vpsel p0, v9, v1  }
0xfb: {  	[tilespmem:v0+s15+$0x0] =	vst.idx.msk $0xffff, v1  }
0xfc: {  	v1 =	vld.idx.msk [tilespmem:v2+s15+$0x0], $0xffff  }
0xfd: {  	v9 =	vld.idx.msk [tilespmem:v42+s8+$0x0], $0xffff;
	_ =	sdelay $0x4  }
0xfe: {  	v1 =	vpsel p0, v9, v1  }
0xff: {  	[tilespmem:v2+s15+$0x0] =	vst.idx.msk $0xffff, v1  }
0x100: {  	v1 =	vld.idx.msk [tilespmem:v3+s15+$0x0], $0xffff  }
0x101: {  	v9 =	vld.idx.msk [tilespmem:v43+s8+$0x0], $0xffff;
	_ =	sdelay $0x4  }
0x102: {  	v1 =	vpsel p0, v9, v1  }
0x103: {  	[tilespmem:v3+s15+$0x0] =	vst.idx.msk $0xffff, v1  }
0x104: {  	v1 =	vld.idx.msk [tilespmem:v4+s15+$0x0], $0xffff  }
0x105: {  	v9 =	vld.idx.msk [tilespmem:v44+s8+$0x0], $0xffff;
	_ =	sdelay $0x4  }
0x106: {  	v1 =	vpsel p0, v9, v1  }
0x107: {  	[tilespmem:v4+s15+$0x0] =	vst.idx.msk $0xffff, v1  }
0x108: {  	v1 =	vld.idx.msk [tilespmem:v5+s15+$0x0], $0xffff  }
0x109: {  	v9 =	vld.idx.msk [tilespmem:v45+s8+$0x0], $0xffff;
	_ =	sdelay $0x4  }
0x10a: {  	v1 =	vpsel p0, v9, v1  }
0x10b: {  	[tilespmem:v5+s15+$0x0] =	vst.idx.msk $0xffff, v1  }
0x10c: {  	v1 =	vld.idx.msk [tilespmem:v6+s15+$0x0], $0xffff  }
0x10d: {  	v9 =	vld.idx.msk [tilespmem:v46+s8+$0x0], $0xffff;
	_ =	sdelay $0x4  }
0x10e: {  	v1 =	vpsel p0, v9, v1  }
0x10f: {  	[tilespmem:v6+s15+$0x0] =	vst.idx.msk $0xffff, v1  }
0x110: {  	v1 =	vld.idx.msk [tilespmem:v7+s15+$0x0], $0xffff  }
0x111: {  	v9 =	vld.idx.msk [tilespmem:v47+s8+$0x0], $0xffff;
	_ =	sdelay $0x4  }
0x112: {  	v1 =	vpsel p0, v9, v1  }
0x113: {  	[tilespmem:v7+s15+$0x0] =	vst.idx.msk $0xffff, v1  }
0x114: {  	v1 =	vld.idx.msk [tilespmem:v8+s15+$0x0], $0xffff  }
0x115: {  	v9 =	vld.idx.msk [tilespmem:v48+s8+$0x0], $0xffff;
	_ =	sdelay $0x4  }
0x116: {  	v1 =	vpsel p0, v9, v1  }
0x117: {  	s6 =	rddreg [dreg:$0xb];
	[tilespmem:v8+s15+$0x0] =	vst.idx.msk $0xffff, v1  }
0x118: {  	[hbm4b:s6+s3] =	stream.linear.scatter [tilespmem:s15], [sflag:$0xD], $0x4000, $0x38;
	[tilespmem:$0x1CC80] =	vst v63  }
0x119: {  	_ =	swait.ge [sflag:s25], $0x4000  }
0x11a: {  	[sflag:s25] =	ssyncset.done $0x0  }
0x11b: {  	[sflag:s25] =	ssyncadd.s32 $0xFFFFC000  }
0x11c: {  	v1 =	vld.idx.msk [tilespmem:v0+s16+$0x0], $0xffff  }
0x11d: {  	v9 =	vld.idx.msk [tilespmem:v49+s8+$0x0], $0xffff;
	_ =	sdelay $0x4  }
0x11e: {  	v1 =	vpsel p0, v9, v1  }
0x11f: {  	[tilespmem:v0+s16+$0x0] =	vst.idx.msk $0xffff, v1  }
0x120: {  	v1 =	vld.idx.msk [tilespmem:v2+s16+$0x0], $0xffff  }
0x121: {  	v9 =	vld.idx.msk [tilespmem:v50+s8+$0x0], $0xffff;
	_ =	sdelay $0x4  }
0x122: {  	v1 =	vpsel p0, v9, v1  }
0x123: {  	[tilespmem:v2+s16+$0x0] =	vst.idx.msk $0xffff, v1  }
0x124: {  	v1 =	vld.idx.msk [tilespmem:v3+s16+$0x0], $0xffff  }
0x125: {  	v9 =	vld.idx.msk [tilespmem:v51+s8+$0x0], $0xffff;
	_ =	sdelay $0x4  }
0x126: {  	v1 =	vpsel p0, v9, v1  }
0x127: {  	[tilespmem:v3+s16+$0x0] =	vst.idx.msk $0xffff, v1  }
0x128: {  	v1 =	vld.idx.msk [tilespmem:v4+s16+$0x0], $0xffff  }
0x129: {  	v9 =	vld.idx.msk [tilespmem:v52+s8+$0x0], $0xffff;
	_ =	sdelay $0x4  }
0x12a: {  	v1 =	vpsel p0, v9, v1  }
0x12b: {  	[tilespmem:v4+s16+$0x0] =	vst.idx.msk $0xffff, v1  }
0x12c: {  	v1 =	vld.idx.msk [tilespmem:v5+s16+$0x0], $0xffff  }
0x12d: {  	v9 =	vld.idx.msk [tilespmem:v53+s8+$0x0], $0xffff;
	_ =	sdelay $0x4  }
0x12e: {  	v1 =	vpsel p0, v9, v1  }
0x12f: {  	[tilespmem:v5+s16+$0x0] =	vst.idx.msk $0xffff, v1  }
0x130: {  	v1 =	vld.idx.msk [tilespmem:v6+s16+$0x0], $0xffff  }
0x131: {  	v9 =	vld.idx.msk [tilespmem:v54+s8+$0x0], $0xffff;
	_ =	sdelay $0x4  }
0x132: {  	v1 =	vpsel p0, v9, v1  }
0x133: {  	[tilespmem:v6+s16+$0x0] =	vst.idx.msk $0xffff, v1  }
0x134: {  	v1 =	vld.idx.msk [tilespmem:v7+s16+$0x0], $0xffff  }
0x135: {  	v9 =	vld.idx.msk [tilespmem:v55+s8+$0x0], $0xffff;
	_ =	sdelay $0x4  }
0x136: {  	v1 =	vpsel p0, v9, v1  }
0x137: {  	[tilespmem:v7+s16+$0x0] =	vst.idx.msk $0xffff, v1  }
0x138: {  	v1 =	vld.idx.msk [tilespmem:v8+s16+$0x0], $0xffff  }
0x139: {  	v9 =	vld.idx.msk [tilespmem:v56+s8+$0x0], $0xffff;
	_ =	sdelay $0x4  }
0x13a: {  	v1 =	vpsel p0, v9, v1  }
0x13b: {  	s6 =	rddreg [dreg:$0xc];
	[tilespmem:v8+s16+$0x0] =	vst.idx.msk $0xffff, v1  }
0x13c: {  	[hbm4b:s6+s3] =	stream.linear.scatter [tilespmem:s16], [sflag:$0xE], $0x4000, $0x38;
	[tilespmem:$0x1CC80] =	vst v63  }
0x13d: {  	_ =	swait.ge [sflag:s18], $0x4000  }
0x13e: {  	[sflag:s18] =	ssyncset.done $0x0  }
0x13f: {  	[sflag:s18] =	ssyncadd.s32 $0xFFFFC000  }
0x140: {  	v1 =	vld.idx.msk [tilespmem:v0+s10+$0x0], $0xffff  }
0x141: {  	v9 =	vld.idx.msk [tilespmem:v57+s8+$0x0], $0xffff;
	_ =	sdelay $0x4  }
0x142: {  	v1 =	vpsel p0, v9, v1  }
0x143: {  	[tilespmem:v0+s10+$0x0] =	vst.idx.msk $0xffff, v1  }
0x144: {  	v1 =	vld.idx.msk [tilespmem:v2+s10+$0x0], $0xffff  }
0x145: {  	v9 =	vld.idx.msk [tilespmem:v58+s8+$0x0], $0xffff;
	_ =	sdelay $0x4  }
0x146: {  	v1 =	vpsel p0, v9, v1  }
0x147: {  	[tilespmem:v2+s10+$0x0] =	vst.idx.msk $0xffff, v1  }
0x148: {  	v1 =	vld.idx.msk [tilespmem:v3+s10+$0x0], $0xffff  }
0x149: {  	v9 =	vld.idx.msk [tilespmem:v59+s8+$0x0], $0xffff;
	_ =	sdelay $0x4  }
0x14a: {  	v1 =	vpsel p0, v9, v1  }
0x14b: {  	[tilespmem:v3+s10+$0x0] =	vst.idx.msk $0xffff, v1  }
0x14c: {  	v1 =	vld.idx.msk [tilespmem:v4+s10+$0x0], $0xffff  }
0x14d: {  	v9 =	vld.idx.msk [tilespmem:v60+s8+$0x0], $0xffff;
	_ =	sdelay $0x4  }
0x14e: {  	v1 =	vpsel p0, v9, v1  }
0x14f: {  	[tilespmem:v4+s10+$0x0] =	vst.idx.msk $0xffff, v1  }
0x150: {  	v1 =	vld.idx.msk [tilespmem:v5+s10+$0x0], $0xffff  }
0x151: {  	v9 =	vld.idx.msk [tilespmem:v61+s8+$0x0], $0xffff;
	_ =	sdelay $0x4  }
0x152: {  	v1 =	vpsel p0, v9, v1  }
0x153: {  	[tilespmem:v5+s10+$0x0] =	vst.idx.msk $0xffff, v1  }
0x154: {  	v1 =	vld.idx.msk [tilespmem:v6+s10+$0x0], $0xffff  }
0x155: {  	v9 =	vld.idx.msk [tilespmem:v62+s8+$0x0], $0xffff;
	_ =	sdelay $0x4  }
0x156: {  	v1 =	vpsel p0, v9, v1  }
0x157: {  	[tilespmem:v6+s10+$0x0] =	vst.idx.msk $0xffff, v1  }
0x158: {  	v1 =	vld.idx.msk [tilespmem:v7+s10+$0x0], $0xffff  }
0x159: {  	v9 =	vld.idx.msk [tilespmem:v63+s8+$0x0], $0xffff;
	_ =	sdelay $0x2  }
0x15a: {  	v10 =	vor.u32 $0x3F0, v0;
	_ =	sdelay $0x1  }
0x15b: {  	v1 =	vpsel p0, v9, v1  }
0x15c: {  	[tilespmem:v7+s10+$0x0] =	vst.idx.msk $0xffff, v1  }
0x15d: {  	v1 =	vld.idx.msk [tilespmem:v8+s10+$0x0], $0xffff  }
0x15e: {  	v9 =	vld.idx.msk [tilespmem:v10+s8+$0x0], $0xffff;
	_ =	sdelay $0x4  }
0x15f: {  	v1 =	vpsel p0, v9, v1  }
0x160: {  	s6 =	rddreg [dreg:$0xd];
	[tilespmem:v8+s10+$0x0] =	vst.idx.msk $0xffff, v1  }
0x161: {  	[hbm4b:s6+s3] =	stream.linear.scatter [tilespmem:s10], [sflag:$0x8], $0x4000, $0x38;
	[tilespmem:$0x1CC80] =	vst v63  }
0x162: {  	_ =	swait.ge [sflag:s19], $0x4000  }
0x163: {  	[sflag:s19] =	ssyncset.done $0x0  }
0x164: {  	[sflag:s19] =	ssyncadd.s32 $0xFFFFC000  }
0x165: {  	_ =	swait.ge [sflag:s26], $0x4000  }
0x166: {  	[sflag:s26] =	ssyncset.done $0x0  }
0x167: {  	[sflag:s26] =	ssyncadd.s32 $0xFFFFC000  }
0x168: {  	_ =	swait.ge [sflag:s28], $0x4000  }
0x169: {  	[sflag:s28] =	ssyncset.done $0x0  }
0x16a: {  	[sflag:s28] =	ssyncadd.s32 $0xFFFFC000  }
0x16b: {  	_ =	swait.ge [sflag:s29], $0x4000  }
0x16c: {  	[sflag:s29] =	ssyncset.done $0x0  }
0x16d: {  	[sflag:s29] =	ssyncadd.s32 $0xFFFFC000  }
0x16e: {  	_ =	swait.ge [sflag:s30], $0x4000  }
0x16f: {  	[sflag:s30] =	ssyncset.done $0x0  }
0x170: {  	[sflag:s30] =	ssyncadd.s32 $0xFFFFC000  }
0x171: {  	p1 =	sne.s32 s5, $0x1;
	_ =	swait.ge [sflag:s31], $0x4000  }
.Ltmp0:
0x172: {  	[sflag:s31] =	ssyncset.done $0x0;
	(pc) =	sbr.rel @p1 .LBB2_1-.Ltmp0, $4  }
0x173: {  	[sflag:s31] =	ssyncadd.s32 $0xFFFFC000  }
0x174: {  	_ =	swait.ge [sflag:s0], $0x4000  }
0x175: {  	[sflag:s0] =	ssyncset.done $0x0  }
0x176: {  	s5 =	sadd.s32 $0xFFFFFFFF, s5;
	[sflag:s0] =	ssyncadd.s32 $0xFFFFC000  }
0x177: {  	_ =	sfence.sel $0x180000  }
0x178: {  	[bflag:$0x0] =	sbarrier.arrive $0xFFFF  }
0x179: {  	_ =	strace $0x90000047  }
0x17a: {  	s0 =	stileid.u32;
	[bflag:$0x2] =	sbarrier.arrive $0xFFFF  }
0x17b: {  	p0 =	sne.s32 s0, $0x0;
	s0 =	rddreg [dreg:$0x4]  }
0x17c: {  	s0 =	sadd.s32 @!p0 $0x100000, s0  }
0x17d: {  	[sflag:s0] =	ssyncadd.tile.s32 @!p0 $0x1;
	_ =	shalt  }
.Lfunc_end2:
_tile_overlayer_lowered:
.L_overlay_start_2:
0x17e: {  	(tag) =	ssettag $0x2  }
0x17f: {  	s0 =	rddreg [dreg:$0x0];
	s2 =	stileid.u32  }
0x180: {  	s1 =	rddreg [dreg:$0x1];
	p0 =	sne.s32 s2, $0x0  }
0x181: {  	s3 =	rddreg [dreg:$0x2];
	[bflag:$0x3] =	sbarrier.arrive $0xFFFF;
	s2 =	simm.s32 @!p0 $0x1C10  }
0x182: {  	[timem:s3], [sflag:s2] =	dma.local @!p0 [hbm:s0], s1  }
0x183: {  	s0 =	simm.s32 @!p0 $0x10  }
0x184: {  	_ =	swait.ge @!p0 [sflag:s0], s1  }
0x185: {  	s1 =	ssub.s32 @!p0 $0x0, s1;
	[sflag:s0] =	ssyncset.done @!p0 $0x0  }
0x186: {  	[sflag:s0] =	ssyncadd.s32 @!p0 s1  }
0x187: {  	[bflag:$0x3] =	sbarrier.arrive $0xFFFF  }
0x188: {  	_ =	shalt  }

</sc_bundles>
